<compile_context>
chip_gen: v7x
topology: tpu7x:2x2x1
jax: 0.10.2.dev20260603
libtpu: 0.0.44.dev20260713+nightly
codegen_flags: <defaults>
</compile_context>

<pallas_src>
import functools

import jax
import jax.numpy as jnp
from jax import lax
from jax.experimental import pallas as pl
from jax.experimental.pallas import tpu as pltpu
from jax.experimental.pallas import tpu_sc as plsc

N = 2048
E = 4096
G = 101
TAB = 10208
NC = 2
NS = 16
NW = NC * NS
L = 16
DPW = N // NW
GROUPS = DPW // L


def _sc_event_reduce(exf, eyf, cx, cy, tab0, tab1):
    mesh = plsc.VectorSubcoreMesh(core_axis_name="c", subcore_axis_name="s")
    out_type = (
        jax.ShapeDtypeStruct((N,), jnp.float32),
        jax.ShapeDtypeStruct((N,), jnp.float32),
        jax.ShapeDtypeStruct((N,), jnp.float32),
    )
    scratch = [
        pltpu.VMEM((E,), jnp.float32),
        pltpu.VMEM((E,), jnp.float32),
        pltpu.VMEM((TAB,), jnp.float32),
        pltpu.VMEM((TAB,), jnp.float32),
        pltpu.VMEM((TAB,), jnp.float32),
        pltpu.VMEM((DPW,), jnp.float32),
        pltpu.VMEM((DPW,), jnp.float32),
        pltpu.VMEM((DPW,), jnp.float32),
        pltpu.VMEM((DPW,), jnp.float32),
        pltpu.VMEM((DPW,), jnp.float32),
    ]

    @functools.partial(pl.kernel, out_type=out_type, mesh=mesh,
                       scratch_types=scratch,
                       compiler_params=pltpu.CompilerParams(
                           needs_layout_passes=False,
                           use_tc_tiling_on_sc=False))
    def k(ex_h, ey_h, cx_h, cy_h, t0_h, t1_h, s0_h, s1_h, ct_h,
          ex_v, ey_v, t0_v, t1_v, tc_v, cx_v, cy_v, s0_v, s1_v, ct_v):
        wid = lax.axis_index("s") * NC + lax.axis_index("c")
        base = wid * DPW
        pltpu.sync_copy(ex_h, ex_v)
        pltpu.sync_copy(ey_h, ey_v)
        pltpu.sync_copy(t0_h, t0_v)
        pltpu.sync_copy(t1_h, t1_v)
        pltpu.sync_copy(cx_h.at[pl.ds(base, DPW)], cx_v)
        pltpu.sync_copy(cy_h.at[pl.ds(base, DPW)], cy_v)

        def build(kk, _):
            sl = pl.ds(kk * L, L)
            t0 = t0_v[sl]
            t1 = t1_v[sl]
            one = jnp.ones((L,), jnp.float32)
            zro = jnp.zeros((L,), jnp.float32)
            cnt = (jnp.where(t0 != 0.0, one, zro)
                   + jnp.where(t1 != 0.0, one, zro))
            tc_v[sl] = cnt
            return 0
        lax.fori_loop(0, TAB // L, build, 0, unroll=2)

        zero = jnp.zeros((L,), jnp.float32)
        for g in range(GROUPS):
            gsl = pl.ds(g * L, L)
            cxv = cx_v[gsl]
            cyv = cy_v[gsl]

            def body(j, carry, cxv=cxv, cyv=cyv):
                s0, s1, sc = carry
                jb = jnp.full((L,), j, jnp.int32)
                exb = plsc.load_gather(ex_v, [jb])
                eyb = plsc.load_gather(ey_v, [jb])
                dx = (exb - cxv).astype(jnp.int32)
                dy = (eyb - cyv).astype(jnp.int32)
                u = jnp.clip(dx, -50, 50)
                v = jnp.clip(dy, -50, 50)
                flat = u * G + v + (50 * G + 50)
                g0 = plsc.load_gather(t0_v, [flat])
                g1 = plsc.load_gather(t1_v, [flat])
                gc = plsc.load_gather(tc_v, [flat])
                return s0 + g0, s1 + g1, sc + gc

            s0, s1, sc = lax.fori_loop(0, E, body, (zero, zero, zero),
                                       unroll=4)
            s0_v[gsl] = s0
            s1_v[gsl] = s1
            ct_v[gsl] = sc

        pltpu.sync_copy(s0_v, s0_h.at[pl.ds(base, DPW)])
        pltpu.sync_copy(s1_v, s1_h.at[pl.ds(base, DPW)])
        pltpu.sync_copy(ct_v, ct_h.at[pl.ds(base, DPW)])

    return k(exf, eyf, cx, cy, tab0, tab1)


def _tc_combine(cx, cy, mask, dists, corr, s0, s1, cnt):
    BR = 256
    grid = (N // BR,)
    full = pl.BlockSpec((N,), lambda i: (0,))
    big = pl.BlockSpec((BR, N), lambda i: (i, 0))
    rows = pl.BlockSpec((BR,), lambda i: (i,))

    def body(cx_ref, cy_ref, mask_ref, dists_ref, corr_ref,
             s0_ref, s1_ref, ct_ref, nx_ref, ny_ref):
        i = pl.program_id(0)
        r = pl.ds(i * BR, BR)
        cxr = cx_ref[r]
        cyr = cy_ref[r]
        dxc = cx_ref[...][None, :] - cxr[:, None]
        dyc = cy_ref[...][None, :] - cyr[:, None]
        m = mask_ref[...]
        d = dists_ref[...]
        sdx = dxc * m
        sdy = dyc * m
        radi = sdx * sdx + sdy * sdy - d * d
        rsx = jnp.sum(4.0 * dxc * radi, axis=1)
        rsy = jnp.sum(4.0 * dyc * radi, axis=1)
        corr_r = corr_ref[r]
        cdu = corr_r * rsx
        cdv = corr_r * rsy
        dec = (ct_ref[r] >= 10.0).astype(jnp.float32)
        scale = 200 * 1.5e-05
        nx_ref[...] = cxr - scale * dec * (
            jnp.clip(s0_ref[r], -400.0, 400.0) - 2.5e-07 * cdu)
        ny_ref[...] = cyr - scale * dec * (
            jnp.clip(s1_ref[r], -400.0, 400.0) - 2.5e-07 * cdv)

    return pl.pallas_call(
        body,
        grid=grid,
        in_specs=[full, full, big, big, full, full, full, full],
        out_specs=[rows, rows],
        out_shape=[
            jax.ShapeDtypeStruct((N,), jnp.float32),
            jax.ShapeDtypeStruct((N,), jnp.float32),
        ],
    )(cx, cy, mask, dists, corr, s0, s1, cnt)


def kernel(events_x, events_y, calib_center, precompute_grid,
           pairwise_dists_mask, pairwise_dists, correction):
    exf = events_x.astype(jnp.float32)
    eyf = events_y.astype(jnp.float32)
    cx = calib_center[:, 1]
    cy = calib_center[:, 0]
    flat = precompute_grid.reshape(G * G, 2)
    pad = TAB - G * G
    tab0 = jnp.pad(flat[:, 0], (0, pad))
    tab1 = jnp.pad(flat[:, 1], (0, pad))
    s0, s1, cnt = _sc_event_reduce(exf, eyf, cx, cy, tab0, tab1)
    nx, ny = _tc_combine(cx, cy, pairwise_dists_mask, pairwise_dists,
                         correction, s0, s1, cnt)
    return jnp.stack([ny, nx], axis=1)

# --- scband reference (transcript-rebuilt; emitter-appended) ---
"""Pipeline reference for scband-dot-tracking-onnx-model-filter-13322988552665 (READ-ONLY COPY).

The authoritative reference and input builder live on the scoring server;
editing this copy changes nothing except your own understanding.
"""

import jax, jax.numpy as jnp
import numpy as np

N = 2048
E = 4096


def setup_inputs(seed: int = 0) -> dict:
    key = jax.random.key(seed)
    k1, k2, k3, k4, k5, k6, k7 = jax.random.split(key, 7)
    events_x = jax.random.randint(k1, (E,), 0, 640)
    events_y = jax.random.randint(k2, (E,), 0, 480)
    calib_center = jax.random.uniform(k3, (N, 2), dtype=jnp.float32) * jnp.array([480.0, 640.0], dtype=jnp.float32)
    precompute_grid = jax.random.normal(k4, (101, 101, 2), dtype=jnp.float32)
    pairwise_dists_mask = (jax.random.uniform(k5, (N, N)) < 0.1).astype(jnp.float32)
    pairwise_dists = jax.random.uniform(k6, (N, N), dtype=jnp.float32) * 100.0
    correction = jax.random.uniform(k7, (N,), dtype=jnp.float32) * 0.001
    return {
        "events_x": events_x,
        "events_y": events_y,
        "calib_center": calib_center,
        "precompute_grid": precompute_grid,
        "pairwise_dists_mask": pairwise_dists_mask,
        "pairwise_dists": pairwise_dists,
        "correction": correction,
    }


def reference(events_x, events_y, calib_center, precompute_grid, pairwise_dists_mask, pairwise_dists, correction):
    threshold_update = 10  # 10 + 3 * (downsample_factor_internally - 1), downsample=1
    dot_regularization_factor = 1.0
    # torch: sub(long, float).long() -> float sub then truncate toward zero
    dx = (events_x[None, :].astype(jnp.float32) - calib_center[:, 1][:, None]).astype(jnp.int32)
    dy = (events_y[None, :].astype(jnp.float32) - calib_center[:, 0][:, None]).astype(jnp.int32)
    test = precompute_grid[jnp.clip(dx, -50, 50) + 50, jnp.clip(dy, -50, 50) + 50, :]  # [N, E, 2]
    decider = (jnp.sum(jnp.sum((test != 0).astype(jnp.int32), axis=2), axis=1) >= threshold_update).astype(jnp.float32)
    update_dx_fast = jnp.sum(test[:, :, 0], axis=1)
    update_dy_fast = jnp.sum(test[:, :, 1], axis=1)
    # regularize_tracking = True branch
    dx_centers = calib_center[:, 1][None, :] - calib_center[:, 1][:, None]  # [N, N], elem[i,j] = c_x[j] - c_x[i]
    dy_centers = calib_center[:, 0][None, :] - calib_center[:, 0][:, None]
    selected_dxs = dx_centers * pairwise_dists_mask
    selected_dys = dy_centers * pairwise_dists_mask
    radi = selected_dxs ** 2 + selected_dys ** 2 - pairwise_dists ** 2
    dtx_centers = 4.0 * dx_centers * radi
    dty_centers = 4.0 * dy_centers * radi
    center_dx_update = correction * jnp.sum(dtx_centers, axis=1)
    center_dy_update = correction * jnp.sum(dty_centers, axis=1)
    new_x = calib_center[:, 1] - 200 * 1.5e-05 * decider * (jnp.clip(update_dx_fast, -400.0, 400.0) - dot_regularization_factor * 2.5e-07 * center_dx_update)
    new_y = calib_center[:, 0] - 200 * 1.5e-05 * decider * (jnp.clip(update_dy_fast, -400.0, 400.0) - dot_regularization_factor * 2.5e-07 * center_dy_update)
    return jnp.stack([new_y, new_x], axis=1)

if __name__ == "__main__":
    import jax
    _d = setup_inputs()
    print(jax.jit(kernel)(*tuple(_d.values())))

</pallas_src>

<mosaic_0001>
#map = affine_map<(d0, d1) -> (0)>
module attributes {stable_mosaic.version = 14 : i64} {
  func.func @k(%arg0: i32, %arg1: i32, %arg2: memref<4096xf32, #tpu.memory_space<hbm>>, %arg3: memref<4096xf32, #tpu.memory_space<hbm>>, %arg4: memref<2048xf32, #tpu.memory_space<hbm>>, %arg5: memref<2048xf32, #tpu.memory_space<hbm>>, %arg6: memref<10208xf32, #tpu.memory_space<hbm>>, %arg7: memref<10208xf32, #tpu.memory_space<hbm>>, %arg8: memref<2048xf32, #tpu.memory_space<hbm>>, %arg9: memref<2048xf32, #tpu.memory_space<hbm>>, %arg10: memref<2048xf32, #tpu.memory_space<hbm>>, %arg11: memref<4096xf32, #tpu.memory_space<vmem>>, %arg12: memref<4096xf32, #tpu.memory_space<vmem>>, %arg13: memref<10208xf32, #tpu.memory_space<vmem>>, %arg14: memref<10208xf32, #tpu.memory_space<vmem>>, %arg15: memref<10208xf32, #tpu.memory_space<vmem>>, %arg16: memref<64xf32, #tpu.memory_space<vmem>>, %arg17: memref<64xf32, #tpu.memory_space<vmem>>, %arg18: memref<64xf32, #tpu.memory_space<vmem>>, %arg19: memref<64xf32, #tpu.memory_space<vmem>>, %arg20: memref<64xf32, #tpu.memory_space<vmem>>) attributes {dimension_semantics = [#tpu.dimension_semantics<core_parallel>, #tpu.dimension_semantics<subcore_parallel>], iteration_bounds = array<i64: 2, 16>, scalar_prefetch = 0 : i64, scratch_operands = 10 : i64, tpu.core_type = #tpu.core_type<sc_vector_subcore>, window_params = [{transform_indices = #map}, {transform_indices = #map}, {transform_indices = #map}, {transform_indices = #map}, {transform_indices = #map}, {transform_indices = #map}, {transform_indices = #map}, {transform_indices = #map}, {transform_indices = #map}]} {
    %mul3A = arith.constant 2 : i32
    %mul3A_0 = arith.muli %arg1, %mul3A : i32
    %add3A = arith.addi %mul3A_0, %arg0 : i32
    %mul3A_1 = arith.constant 64 : i32
    %mul3A_2 = arith.muli %add3A, %mul3A_1 : i32
    "tpu.region"() ({
      %run_scoped3A = tpu.sem_alloc : memref<!tpu.dma_semaphore, #tpu.memory_space<semaphore_mem>>
      tpu.enqueue_dma source(%arg2 : memref<4096xf32, #tpu.memory_space<hbm>>) target(%arg11 : memref<4096xf32, #tpu.memory_space<vmem>>) target_semaphore(%run_scoped3A : memref<!tpu.dma_semaphore, #tpu.memory_space<semaphore_mem>>)
      tpu.wait_dma2 semaphore(%run_scoped3A : memref<!tpu.dma_semaphore, #tpu.memory_space<semaphore_mem>>) src(%arg2 : memref<4096xf32, #tpu.memory_space<hbm>>) dst(%arg11 : memref<4096xf32, #tpu.memory_space<vmem>>)
      tpu.yield
    }) : () -> ()
    "tpu.region"() ({
      %run_scoped3A = tpu.sem_alloc : memref<!tpu.dma_semaphore, #tpu.memory_space<semaphore_mem>>
      tpu.enqueue_dma source(%arg3 : memref<4096xf32, #tpu.memory_space<hbm>>) target(%arg12 : memref<4096xf32, #tpu.memory_space<vmem>>) target_semaphore(%run_scoped3A : memref<!tpu.dma_semaphore, #tpu.memory_space<semaphore_mem>>)
      tpu.wait_dma2 semaphore(%run_scoped3A : memref<!tpu.dma_semaphore, #tpu.memory_space<semaphore_mem>>) src(%arg3 : memref<4096xf32, #tpu.memory_space<hbm>>) dst(%arg12 : memref<4096xf32, #tpu.memory_space<vmem>>)
      tpu.yield
    }) : () -> ()
    "tpu.region"() ({
      %run_scoped3A = tpu.sem_alloc : memref<!tpu.dma_semaphore, #tpu.memory_space<semaphore_mem>>
      tpu.enqueue_dma source(%arg6 : memref<10208xf32, #tpu.memory_space<hbm>>) target(%arg13 : memref<10208xf32, #tpu.memory_space<vmem>>) target_semaphore(%run_scoped3A : memref<!tpu.dma_semaphore, #tpu.memory_space<semaphore_mem>>)
      tpu.wait_dma2 semaphore(%run_scoped3A : memref<!tpu.dma_semaphore, #tpu.memory_space<semaphore_mem>>) src(%arg6 : memref<10208xf32, #tpu.memory_space<hbm>>) dst(%arg13 : memref<10208xf32, #tpu.memory_space<vmem>>)
      tpu.yield
    }) : () -> ()
    "tpu.region"() ({
      %run_scoped3A = tpu.sem_alloc : memref<!tpu.dma_semaphore, #tpu.memory_space<semaphore_mem>>
      tpu.enqueue_dma source(%arg7 : memref<10208xf32, #tpu.memory_space<hbm>>) target(%arg14 : memref<10208xf32, #tpu.memory_space<vmem>>) target_semaphore(%run_scoped3A : memref<!tpu.dma_semaphore, #tpu.memory_space<semaphore_mem>>)
      tpu.wait_dma2 semaphore(%run_scoped3A : memref<!tpu.dma_semaphore, #tpu.memory_space<semaphore_mem>>) src(%arg7 : memref<10208xf32, #tpu.memory_space<hbm>>) dst(%arg14 : memref<10208xf32, #tpu.memory_space<vmem>>)
      tpu.yield
    }) : () -> ()
    "tpu.region"() ({
      %run_scoped3A = tpu.sem_alloc : memref<!tpu.dma_semaphore, #tpu.memory_space<semaphore_mem>>
      %dma_start3A = tpu.memref_slice %arg4[%mul3A_2] : memref<2048xf32, #tpu.memory_space<hbm>> -> memref<64xf32, #tpu.memory_space<hbm>>
      %dma_start3A_72 = tpu.memref_slice %arg4[%mul3A_2] : memref<2048xf32, #tpu.memory_space<hbm>> -> memref<64xf32, #tpu.memory_space<hbm>>
      tpu.enqueue_dma source(%dma_start3A_72 : memref<64xf32, #tpu.memory_space<hbm>>) target(%arg16 : memref<64xf32, #tpu.memory_space<vmem>>) target_semaphore(%run_scoped3A : memref<!tpu.dma_semaphore, #tpu.memory_space<semaphore_mem>>)
      %dma_wait3A = tpu.memref_slice %arg4[%mul3A_2] : memref<2048xf32, #tpu.memory_space<hbm>> -> memref<64xf32, #tpu.memory_space<hbm>>
      %dma_wait3A_73 = tpu.memref_slice %arg4[%mul3A_2] : memref<2048xf32, #tpu.memory_space<hbm>> -> memref<64xf32, #tpu.memory_space<hbm>>
      tpu.wait_dma2 semaphore(%run_scoped3A : memref<!tpu.dma_semaphore, #tpu.memory_space<semaphore_mem>>) src(%dma_wait3A_73 : memref<64xf32, #tpu.memory_space<hbm>>) dst(%arg16 : memref<64xf32, #tpu.memory_space<vmem>>)
      tpu.yield
    }) : () -> ()
    "tpu.region"() ({
      %run_scoped3A = tpu.sem_alloc : memref<!tpu.dma_semaphore, #tpu.memory_space<semaphore_mem>>
      %dma_start3A = tpu.memref_slice %arg5[%mul3A_2] : memref<2048xf32, #tpu.memory_space<hbm>> -> memref<64xf32, #tpu.memory_space<hbm>>
      %dma_start3A_72 = tpu.memref_slice %arg5[%mul3A_2] : memref<2048xf32, #tpu.memory_space<hbm>> -> memref<64xf32, #tpu.memory_space<hbm>>
      tpu.enqueue_dma source(%dma_start3A_72 : memref<64xf32, #tpu.memory_space<hbm>>) target(%arg17 : memref<64xf32, #tpu.memory_space<vmem>>) target_semaphore(%run_scoped3A : memref<!tpu.dma_semaphore, #tpu.memory_space<semaphore_mem>>)
      %dma_wait3A = tpu.memref_slice %arg5[%mul3A_2] : memref<2048xf32, #tpu.memory_space<hbm>> -> memref<64xf32, #tpu.memory_space<hbm>>
      %dma_wait3A_73 = tpu.memref_slice %arg5[%mul3A_2] : memref<2048xf32, #tpu.memory_space<hbm>> -> memref<64xf32, #tpu.memory_space<hbm>>
      tpu.wait_dma2 semaphore(%run_scoped3A : memref<!tpu.dma_semaphore, #tpu.memory_space<semaphore_mem>>) src(%dma_wait3A_73 : memref<64xf32, #tpu.memory_space<hbm>>) dst(%arg17 : memref<64xf32, #tpu.memory_space<vmem>>)
      tpu.yield
    }) : () -> ()
    %scan3A = arith.constant 0 : i32
    %scan3A_3 = arith.constant 0 : i32
    %scan3A_4 = arith.constant 638 : i32
    %scan3A_5 = arith.addi %scan3A_3, %scan3A_4 : i32
    %scan3A_6 = arith.constant 2 : i32
    %scan3A_7 = scf.for %scan3A_72 = %scan3A_3 to %scan3A_5 step %scan3A_6 iter_args(%scan3A_73 = %scan3A) -> (i32)  : i32 {
      %mul3A_74 = arith.constant 16 : i32
      %mul3A_75 = arith.muli %scan3A_72, %mul3A_74 : i32
      %get3A_76 = arith.index_cast %mul3A_75 : i32 to index
      %get3A_77 = tpu.vector_load %arg13[%get3A_76] {strides = array<i32>} : memref<10208xf32, #tpu.memory_space<vmem>>, vector<16xf32>,
      %get3A_78 = arith.index_cast %mul3A_75 : i32 to index
      %get3A_79 = tpu.vector_load %arg14[%get3A_78] {strides = array<i32>} : memref<10208xf32, #tpu.memory_space<vmem>>, vector<16xf32>,
      %broadcast_in_dim3A_80 = arith.constant 1.000000e+00 : f32
      %broadcast_in_dim3A_81 = vector.broadcast %broadcast_in_dim3A_80 : f32 to vector<16xf32>
      %broadcast_in_dim3A_82 = arith.constant 0.000000e+00 : f32
      %broadcast_in_dim3A_83 = vector.broadcast %broadcast_in_dim3A_82 : f32 to vector<16xf32>
      %ne3A = arith.constant 0.000000e+00 : f32
      %ne3A_84 = vector.broadcast %ne3A : f32 to vector<16xf32>
      %ne3A_85 = arith.cmpf one, %get3A_77, %ne3A_84 : vector<16xf32>
      %select_n3A = arith.select %ne3A_85, %broadcast_in_dim3A_81, %broadcast_in_dim3A_83 : vector<16xi1>, vector<16xf32>
      %ne3A_86 = arith.constant 0.000000e+00 : f32
      %ne3A_87 = vector.broadcast %ne3A_86 : f32 to vector<16xf32>
      %ne3A_88 = arith.cmpf one, %get3A_79, %ne3A_87 : vector<16xf32>
      %select_n3A_89 = arith.select %ne3A_88, %broadcast_in_dim3A_81, %broadcast_in_dim3A_83 : vector<16xi1>, vector<16xf32>
      %add3A_90 = arith.addf %select_n3A, %select_n3A_89 : vector<16xf32>
      %swap3A_91 = arith.index_cast %mul3A_75 : i32 to index
      %swap3A_92 = tpu.vector_load %arg15[%swap3A_91] {strides = array<i32>} : memref<10208xf32, #tpu.memory_space<vmem>>, vector<16xf32>,
      tpu.vector_store %arg15[%swap3A_91], %add3A_90 {strides = array<i32>} : memref<10208xf32, #tpu.memory_space<vmem>>, vector<16xf32>,
      %scan3A_93 = arith.constant 0 : i32
      %scan3A_94 = arith.constant 1 : i32
      %scan3A_95 = arith.addi %scan3A_72, %scan3A_94 : i32
      %mul3A_96 = arith.constant 16 : i32
      %mul3A_97 = arith.muli %scan3A_95, %mul3A_96 : i32
      %get3A_98 = arith.index_cast %mul3A_97 : i32 to index
      %get3A_99 = tpu.vector_load %arg13[%get3A_98] {strides = array<i32>} : memref<10208xf32, #tpu.memory_space<vmem>>, vector<16xf32>,
      %get3A_100 = arith.index_cast %mul3A_97 : i32 to index
      %get3A_101 = tpu.vector_load %arg14[%get3A_100] {strides = array<i32>} : memref<10208xf32, #tpu.memory_space<vmem>>, vector<16xf32>,
      %broadcast_in_dim3A_102 = arith.constant 1.000000e+00 : f32
      %broadcast_in_dim3A_103 = vector.broadcast %broadcast_in_dim3A_102 : f32 to vector<16xf32>
      %broadcast_in_dim3A_104 = arith.constant 0.000000e+00 : f32
      %broadcast_in_dim3A_105 = vector.broadcast %broadcast_in_dim3A_104 : f32 to vector<16xf32>
      %ne3A_106 = arith.constant 0.000000e+00 : f32
      %ne3A_107 = vector.broadcast %ne3A_106 : f32 to vector<16xf32>
      %ne3A_108 = arith.cmpf one, %get3A_99, %ne3A_107 : vector<16xf32>
      %select_n3A_109 = arith.select %ne3A_108, %broadcast_in_dim3A_103, %broadcast_in_dim3A_105 : vector<16xi1>, vector<16xf32>
      %ne3A_110 = arith.constant 0.000000e+00 : f32
      %ne3A_111 = vector.broadcast %ne3A_110 : f32 to vector<16xf32>
      %ne3A_112 = arith.cmpf one, %get3A_101, %ne3A_111 : vector<16xf32>
      %select_n3A_113 = arith.select %ne3A_112, %broadcast_in_dim3A_103, %broadcast_in_dim3A_105 : vector<16xi1>, vector<16xf32>
      %add3A_114 = arith.addf %select_n3A_109, %select_n3A_113 : vector<16xf32>
      %swap3A_115 = arith.index_cast %mul3A_97 : i32 to index
      %swap3A_116 = tpu.vector_load %arg15[%swap3A_115] {strides = array<i32>} : memref<10208xf32, #tpu.memory_space<vmem>>, vector<16xf32>,
      tpu.vector_store %arg15[%swap3A_115], %add3A_114 {strides = array<i32>} : memref<10208xf32, #tpu.memory_space<vmem>>, vector<16xf32>,
      %scan3A_117 = arith.constant 0 : i32
      scf.yield %scan3A_117 : i32
    }
    %scan3A_8 = arith.constant 638 : i32
    %broadcast_in_dim3A = arith.constant 0.000000e+00 : f32
    %broadcast_in_dim3A_9 = vector.broadcast %broadcast_in_dim3A : f32 to vector<16xf32>
    %get3A = arith.constant 0 : index
    %get3A_10 = tpu.vector_load %arg16[%get3A] {strides = array<i32>} : memref<64xf32, #tpu.memory_space<vmem>>, vector<16xf32>,
    %get3A_11 = arith.constant 0 : index
    %get3A_12 = tpu.vector_load %arg17[%get3A_11] {strides = array<i32>} : memref<64xf32, #tpu.memory_space<vmem>>, vector<16xf32>,
    %scan3A_13 = arith.constant 0 : i32
    %scan3A_14 = arith.constant 4096 : i32
    %scan3A_15 = arith.addi %scan3A_13, %scan3A_14 : i32
    %scan3A_16 = arith.constant 4 : i32
    %scan3A_17:3 = scf.for %scan3A_72 = %scan3A_13 to %scan3A_15 step %scan3A_16 iter_args(%scan3A_73 = %broadcast_in_dim3A_9, %scan3A_74 = %broadcast_in_dim3A_9, %scan3A_75 = %broadcast_in_dim3A_9) -> (vector<16xf32>, vector<16xf32>, vector<16xf32>)  : i32 {
      %broadcast_in_dim3A_76 = vector.broadcast %scan3A_72 : i32 to vector<16xi32>
      %gather3A = tpu.vector_load_idx %arg11[%broadcast_in_dim3A_76] : memref<4096xf32, #tpu.memory_space<vmem>>[vector<16xi32>], vector<16xf32>,
      %gather3A_77 = tpu.vector_load_idx %arg12[%broadcast_in_dim3A_76] : memref<4096xf32, #tpu.memory_space<vmem>>[vector<16xi32>], vector<16xf32>,
      %sub3A = arith.subf %gather3A, %get3A_10 : vector<16xf32>
      %convert_element_type3A = arith.fptosi %sub3A : vector<16xf32> to vector<16xi32>
      %sub3A_78 = arith.subf %gather3A_77, %get3A_12 : vector<16xf32>
      %convert_element_type3A_79 = arith.fptosi %sub3A_78 : vector<16xf32> to vector<16xi32>
      %jit3A = arith.constant -50 : i32
      %jit3A_80 = arith.constant 50 : i32
      %max3A = vector.broadcast %jit3A : i32 to vector<16xi32>
      %max3A_81 = arith.maxsi %max3A, %convert_element_type3A : vector<16xi32>
      %min3A = vector.broadcast %jit3A_80 : i32 to vector<16xi32>
      %min3A_82 = arith.minsi %min3A, %max3A_81 : vector<16xi32>
      %jit3A_83 = arith.constant -50 : i32
      %jit3A_84 = arith.constant 50 : i32
      %max3A_85 = vector.broadcast %jit3A_83 : i32 to vector<16xi32>
      %max3A_86 = arith.maxsi %max3A_85, %convert_element_type3A_79 : vector<16xi32>
      %min3A_87 = vector.broadcast %jit3A_84 : i32 to vector<16xi32>
      %min3A_88 = arith.minsi %min3A_87, %max3A_86 : vector<16xi32>
      %mul3A_89 = arith.constant 101 : i32
      %mul3A_90 = vector.broadcast %mul3A_89 : i32 to vector<16xi32>
      %mul3A_91 = arith.muli %min3A_82, %mul3A_90 : vector<16xi32>
      %add3A_92 = arith.addi %mul3A_91, %min3A_88 : vector<16xi32>
      %add3A_93 = arith.constant 5100 : i32
      %add3A_94 = vector.broadcast %add3A_93 : i32 to vector<16xi32>
      %add3A_95 = arith.addi %add3A_92, %add3A_94 : vector<16xi32>
      %gather3A_96 = tpu.vector_load_idx %arg13[%add3A_95] : memref<10208xf32, #tpu.memory_space<vmem>>[vector<16xi32>], vector<16xf32>,
      %gather3A_97 = tpu.vector_load_idx %arg14[%add3A_95] : memref<10208xf32, #tpu.memory_space<vmem>>[vector<16xi32>], vector<16xf32>,
      %gather3A_98 = tpu.vector_load_idx %arg15[%add3A_95] : memref<10208xf32, #tpu.memory_space<vmem>>[vector<16xi32>], vector<16xf32>,
      %add3A_99 = arith.addf %scan3A_73, %gather3A_96 : vector<16xf32>
      %add3A_100 = arith.addf %scan3A_74, %gather3A_97 : vector<16xf32>
      %add3A_101 = arith.addf %scan3A_75, %gather3A_98 : vector<16xf32>
      %scan3A_102 = arith.constant 1 : i32
      %scan3A_103 = arith.addi %scan3A_72, %scan3A_102 : i32
      %broadcast_in_dim3A_104 = vector.broadcast %scan3A_103 : i32 to vector<16xi32>
      %gather3A_105 = tpu.vector_load_idx %arg11[%broadcast_in_dim3A_104] : memref<4096xf32, #tpu.memory_space<vmem>>[vector<16xi32>], vector<16xf32>,
      %gather3A_106 = tpu.vector_load_idx %arg12[%broadcast_in_dim3A_104] : memref<4096xf32, #tpu.memory_space<vmem>>[vector<16xi32>], vector<16xf32>,
      %sub3A_107 = arith.subf %gather3A_105, %get3A_10 : vector<16xf32>
      %convert_element_type3A_108 = arith.fptosi %sub3A_107 : vector<16xf32> to vector<16xi32>
      %sub3A_109 = arith.subf %gather3A_106, %get3A_12 : vector<16xf32>
      %convert_element_type3A_110 = arith.fptosi %sub3A_109 : vector<16xf32> to vector<16xi32>
      %jit3A_111 = arith.constant -50 : i32
      %jit3A_112 = arith.constant 50 : i32
      %max3A_113 = vector.broadcast %jit3A_111 : i32 to vector<16xi32>
      %max3A_114 = arith.maxsi %max3A_113, %convert_element_type3A_108 : vector<16xi32>
      %min3A_115 = vector.broadcast %jit3A_112 : i32 to vector<16xi32>
      %min3A_116 = arith.minsi %min3A_115, %max3A_114 : vector<16xi32>
      %jit3A_117 = arith.constant -50 : i32
      %jit3A_118 = arith.constant 50 : i32
      %max3A_119 = vector.broadcast %jit3A_117 : i32 to vector<16xi32>
      %max3A_120 = arith.maxsi %max3A_119, %convert_element_type3A_110 : vector<16xi32>
      %min3A_121 = vector.broadcast %jit3A_118 : i32 to vector<16xi32>
      %min3A_122 = arith.minsi %min3A_121, %max3A_120 : vector<16xi32>
      %mul3A_123 = arith.constant 101 : i32
      %mul3A_124 = vector.broadcast %mul3A_123 : i32 to vector<16xi32>
      %mul3A_125 = arith.muli %min3A_116, %mul3A_124 : vector<16xi32>
      %add3A_126 = arith.addi %mul3A_125, %min3A_122 : vector<16xi32>
      %add3A_127 = arith.constant 5100 : i32
      %add3A_128 = vector.broadcast %add3A_127 : i32 to vector<16xi32>
      %add3A_129 = arith.addi %add3A_126, %add3A_128 : vector<16xi32>
      %gather3A_130 = tpu.vector_load_idx %arg13[%add3A_129] : memref<10208xf32, #tpu.memory_space<vmem>>[vector<16xi32>], vector<16xf32>,
      %gather3A_131 = tpu.vector_load_idx %arg14[%add3A_129] : memref<10208xf32, #tpu.memory_space<vmem>>[vector<16xi32>], vector<16xf32>,
      %gather3A_132 = tpu.vector_load_idx %arg15[%add3A_129] : memref<10208xf32, #tpu.memory_space<vmem>>[vector<16xi32>], vector<16xf32>,
      %add3A_133 = arith.addf %add3A_99, %gather3A_130 : vector<16xf32>
      %add3A_134 = arith.addf %add3A_100, %gather3A_131 : vector<16xf32>
      %add3A_135 = arith.addf %add3A_101, %gather3A_132 : vector<16xf32>
      %scan3A_136 = arith.constant 2 : i32
      %scan3A_137 = arith.addi %scan3A_72, %scan3A_136 : i32
      %broadcast_in_dim3A_138 = vector.broadcast %scan3A_137 : i32 to vector<16xi32>
      %gather3A_139 = tpu.vector_load_idx %arg11[%broadcast_in_dim3A_138] : memref<4096xf32, #tpu.memory_space<vmem>>[vector<16xi32>], vector<16xf32>,
      %gather3A_140 = tpu.vector_load_idx %arg12[%broadcast_in_dim3A_138] : memref<4096xf32, #tpu.memory_space<vmem>>[vector<16xi32>], vector<16xf32>,
      %sub3A_141 = arith.subf %gather3A_139, %get3A_10 : vector<16xf32>
      %convert_element_type3A_142 = arith.fptosi %sub3A_141 : vector<16xf32> to vector<16xi32>
      %sub3A_143 = arith.subf %gather3A_140, %get3A_12 : vector<16xf32>
      %convert_element_type3A_144 = arith.fptosi %sub3A_143 : vector<16xf32> to vector<16xi32>
      %jit3A_145 = arith.constant -50 : i32
      %jit3A_146 = arith.constant 50 : i32
      %max3A_147 = vector.broadcast %jit3A_145 : i32 to vector<16xi32>
      %max3A_148 = arith.maxsi %max3A_147, %convert_element_type3A_142 : vector<16xi32>
      %min3A_149 = vector.broadcast %jit3A_146 : i32 to vector<16xi32>
      %min3A_150 = arith.minsi %min3A_149, %max3A_148 : vector<16xi32>
      %jit3A_151 = arith.constant -50 : i32
      %jit3A_152 = arith.constant 50 : i32
      %max3A_153 = vector.broadcast %jit3A_151 : i32 to vector<16xi32>
      %max3A_154 = arith.maxsi %max3A_153, %convert_element_type3A_144 : vector<16xi32>
      %min3A_155 = vector.broadcast %jit3A_152 : i32 to vector<16xi32>
      %min3A_156 = arith.minsi %min3A_155, %max3A_154 : vector<16xi32>
      %mul3A_157 = arith.constant 101 : i32
      %mul3A_158 = vector.broadcast %mul3A_157 : i32 to vector<16xi32>
      %mul3A_159 = arith.muli %min3A_150, %mul3A_158 : vector<16xi32>
      %add3A_160 = arith.addi %mul3A_159, %min3A_156 : vector<16xi32>
      %add3A_161 = arith.constant 5100 : i32
      %add3A_162 = vector.broadcast %add3A_161 : i32 to vector<16xi32>
      %add3A_163 = arith.addi %add3A_160, %add3A_162 : vector<16xi32>
      %gather3A_164 = tpu.vector_load_idx %arg13[%add3A_163] : memref<10208xf32, #tpu.memory_space<vmem>>[vector<16xi32>], vector<16xf32>,
      %gather3A_165 = tpu.vector_load_idx %arg14[%add3A_163] : memref<10208xf32, #tpu.memory_space<vmem>>[vector<16xi32>], vector<16xf32>,
      %gather3A_166 = tpu.vector_load_idx %arg15[%add3A_163] : memref<10208xf32, #tpu.memory_space<vmem>>[vector<16xi32>], vector<16xf32>,
      %add3A_167 = arith.addf %add3A_133, %gather3A_164 : vector<16xf32>
      %add3A_168 = arith.addf %add3A_134, %gather3A_165 : vector<16xf32>
      %add3A_169 = arith.addf %add3A_135, %gather3A_166 : vector<16xf32>
      %scan3A_170 = arith.constant 3 : i32
      %scan3A_171 = arith.addi %scan3A_72, %scan3A_170 : i32
      %broadcast_in_dim3A_172 = vector.broadcast %scan3A_171 : i32 to vector<16xi32>
      %gather3A_173 = tpu.vector_load_idx %arg11[%broadcast_in_dim3A_172] : memref<4096xf32, #tpu.memory_space<vmem>>[vector<16xi32>], vector<16xf32>,
      %gather3A_174 = tpu.vector_load_idx %arg12[%broadcast_in_dim3A_172] : memref<4096xf32, #tpu.memory_space<vmem>>[vector<16xi32>], vector<16xf32>,
      %sub3A_175 = arith.subf %gather3A_173, %get3A_10 : vector<16xf32>
      %convert_element_type3A_176 = arith.fptosi %sub3A_175 : vector<16xf32> to vector<16xi32>
      %sub3A_177 = arith.subf %gather3A_174, %get3A_12 : vector<16xf32>
      %convert_element_type3A_178 = arith.fptosi %sub3A_177 : vector<16xf32> to vector<16xi32>
      %jit3A_179 = arith.constant -50 : i32
      %jit3A_180 = arith.constant 50 : i32
      %max3A_181 = vector.broadcast %jit3A_179 : i32 to vector<16xi32>
      %max3A_182 = arith.maxsi %max3A_181, %convert_element_type3A_176 : vector<16xi32>
      %min3A_183 = vector.broadcast %jit3A_180 : i32 to vector<16xi32>
      %min3A_184 = arith.minsi %min3A_183, %max3A_182 : vector<16xi32>
      %jit3A_185 = arith.constant -50 : i32
      %jit3A_186 = arith.constant 50 : i32
      %max3A_187 = vector.broadcast %jit3A_185 : i32 to vector<16xi32>
      %max3A_188 = arith.maxsi %max3A_187, %convert_element_type3A_178 : vector<16xi32>
      %min3A_189 = vector.broadcast %jit3A_186 : i32 to vector<16xi32>
      %min3A_190 = arith.minsi %min3A_189, %max3A_188 : vector<16xi32>
      %mul3A_191 = arith.constant 101 : i32
      %mul3A_192 = vector.broadcast %mul3A_191 : i32 to vector<16xi32>
      %mul3A_193 = arith.muli %min3A_184, %mul3A_192 : vector<16xi32>
      %add3A_194 = arith.addi %mul3A_193, %min3A_190 : vector<16xi32>
      %add3A_195 = arith.constant 5100 : i32
      %add3A_196 = vector.broadcast %add3A_195 : i32 to vector<16xi32>
      %add3A_197 = arith.addi %add3A_194, %add3A_196 : vector<16xi32>
      %gather3A_198 = tpu.vector_load_idx %arg13[%add3A_197] : memref<10208xf32, #tpu.memory_space<vmem>>[vector<16xi32>], vector<16xf32>,
      %gather3A_199 = tpu.vector_load_idx %arg14[%add3A_197] : memref<10208xf32, #tpu.memory_space<vmem>>[vector<16xi32>], vector<16xf32>,
      %gather3A_200 = tpu.vector_load_idx %arg15[%add3A_197] : memref<10208xf32, #tpu.memory_space<vmem>>[vector<16xi32>], vector<16xf32>,
      %add3A_201 = arith.addf %add3A_167, %gather3A_198 : vector<16xf32>
      %add3A_202 = arith.addf %add3A_168, %gather3A_199 : vector<16xf32>
      %add3A_203 = arith.addf %add3A_169, %gather3A_200 : vector<16xf32>
      scf.yield %add3A_201, %add3A_202, %add3A_203 : vector<16xf32>, vector<16xf32>, vector<16xf32>
    }
    %scan3A_18 = arith.constant 4096 : i32
    %swap3A = arith.constant 0 : index
    %swap3A_19 = tpu.vector_load %arg18[%swap3A] {strides = array<i32>} : memref<64xf32, #tpu.memory_space<vmem>>, vector<16xf32>,
    tpu.vector_store %arg18[%swap3A], %scan3A_17#0 {strides = array<i32>} : memref<64xf32, #tpu.memory_space<vmem>>, vector<16xf32>,
    %swap3A_20 = arith.constant 0 : index
    %swap3A_21 = tpu.vector_load %arg19[%swap3A_20] {strides = array<i32>} : memref<64xf32, #tpu.memory_space<vmem>>, vector<16xf32>,
    tpu.vector_store %arg19[%swap3A_20], %scan3A_17#1 {strides = array<i32>} : memref<64xf32, #tpu.memory_space<vmem>>, vector<16xf32>,
    %swap3A_22 = arith.constant 0 : index
    %swap3A_23 = tpu.vector_load %arg20[%swap3A_22] {strides = array<i32>} : memref<64xf32, #tpu.memory_space<vmem>>, vector<16xf32>,
    tpu.vector_store %arg20[%swap3A_22], %scan3A_17#2 {strides = array<i32>} : memref<64xf32, #tpu.memory_space<vmem>>, vector<16xf32>,
    %get3A_24 = arith.constant 16 : index
    %get3A_25 = tpu.vector_load %arg16[%get3A_24] {strides = array<i32>} : memref<64xf32, #tpu.memory_space<vmem>>, vector<16xf32>,
    %get3A_26 = arith.constant 16 : index
    %get3A_27 = tpu.vector_load %arg17[%get3A_26] {strides = array<i32>} : memref<64xf32, #tpu.memory_space<vmem>>, vector<16xf32>,
    %scan3A_28 = arith.constant 0 : i32
    %scan3A_29 = arith.constant 4096 : i32
    %scan3A_30 = arith.addi %scan3A_28, %scan3A_29 : i32
    %scan3A_31 = arith.constant 4 : i32
    %scan3A_32:3 = scf.for %scan3A_72 = %scan3A_28 to %scan3A_30 step %scan3A_31 iter_args(%scan3A_73 = %broadcast_in_dim3A_9, %scan3A_74 = %broadcast_in_dim3A_9, %scan3A_75 = %broadcast_in_dim3A_9) -> (vector<16xf32>, vector<16xf32>, vector<16xf32>)  : i32 {
      %broadcast_in_dim3A_76 = vector.broadcast %scan3A_72 : i32 to vector<16xi32>
      %gather3A = tpu.vector_load_idx %arg11[%broadcast_in_dim3A_76] : memref<4096xf32, #tpu.memory_space<vmem>>[vector<16xi32>], vector<16xf32>,
      %gather3A_77 = tpu.vector_load_idx %arg12[%broadcast_in_dim3A_76] : memref<4096xf32, #tpu.memory_space<vmem>>[vector<16xi32>], vector<16xf32>,
      %sub3A = arith.subf %gather3A, %get3A_25 : vector<16xf32>
      %convert_element_type3A = arith.fptosi %sub3A : vector<16xf32> to vector<16xi32>
      %sub3A_78 = arith.subf %gather3A_77, %get3A_27 : vector<16xf32>
      %convert_element_type3A_79 = arith.fptosi %sub3A_78 : vector<16xf32> to vector<16xi32>
      %jit3A = arith.constant -50 : i32
      %jit3A_80 = arith.constant 50 : i32
      %max3A = vector.broadcast %jit3A : i32 to vector<16xi32>
      %max3A_81 = arith.maxsi %max3A, %convert_element_type3A : vector<16xi32>
      %min3A = vector.broadcast %jit3A_80 : i32 to vector<16xi32>
      %min3A_82 = arith.minsi %min3A, %max3A_81 : vector<16xi32>
      %jit3A_83 = arith.constant -50 : i32
      %jit3A_84 = arith.constant 50 : i32
      %max3A_85 = vector.broadcast %jit3A_83 : i32 to vector<16xi32>
      %max3A_86 = arith.maxsi %max3A_85, %convert_element_type3A_79 : vector<16xi32>
      %min3A_87 = vector.broadcast %jit3A_84 : i32 to vector<16xi32>
      %min3A_88 = arith.minsi %min3A_87, %max3A_86 : vector<16xi32>
      %mul3A_89 = arith.constant 101 : i32
      %mul3A_90 = vector.broadcast %mul3A_89 : i32 to vector<16xi32>
      %mul3A_91 = arith.muli %min3A_82, %mul3A_90 : vector<16xi32>
      %add3A_92 = arith.addi %mul3A_91, %min3A_88 : vector<16xi32>
      %add3A_93 = arith.constant 5100 : i32
      %add3A_94 = vector.broadcast %add3A_93 : i32 to vector<16xi32>
      %add3A_95 = arith.addi %add3A_92, %add3A_94 : vector<16xi32>
      %gather3A_96 = tpu.vector_load_idx %arg13[%add3A_95] : memref<10208xf32, #tpu.memory_space<vmem>>[vector<16xi32>], vector<16xf32>,
      %gather3A_97 = tpu.vector_load_idx %arg14[%add3A_95] : memref<10208xf32, #tpu.memory_space<vmem>>[vector<16xi32>], vector<16xf32>,
      %gather3A_98 = tpu.vector_load_idx %arg15[%add3A_95] : memref<10208xf32, #tpu.memory_space<vmem>>[vector<16xi32>], vector<16xf32>,
      %add3A_99 = arith.addf %scan3A_73, %gather3A_96 : vector<16xf32>
      %add3A_100 = arith.addf %scan3A_74, %gather3A_97 : vector<16xf32>
      %add3A_101 = arith.addf %scan3A_75, %gather3A_98 : vector<16xf32>
      %scan3A_102 = arith.constant 1 : i32
      %scan3A_103 = arith.addi %scan3A_72, %scan3A_102 : i32
      %broadcast_in_dim3A_104 = vector.broadcast %scan3A_103 : i32 to vector<16xi32>
      %gather3A_105 = tpu.vector_load_idx %arg11[%broadcast_in_dim3A_104] : memref<4096xf32, #tpu.memory_space<vmem>>[vector<16xi32>], vector<16xf32>,
      %gather3A_106 = tpu.vector_load_idx %arg12[%broadcast_in_dim3A_104] : memref<4096xf32, #tpu.memory_space<vmem>>[vector<16xi32>], vector<16xf32>,
      %sub3A_107 = arith.subf %gather3A_105, %get3A_25 : vector<16xf32>
      %convert_element_type3A_108 = arith.fptosi %sub3A_107 : vector<16xf32> to vector<16xi32>
      %sub3A_109 = arith.subf %gather3A_106, %get3A_27 : vector<16xf32>
      %convert_element_type3A_110 = arith.fptosi %sub3A_109 : vector<16xf32> to vector<16xi32>
      %jit3A_111 = arith.constant -50 : i32
      %jit3A_112 = arith.constant 50 : i32
      %max3A_113 = vector.broadcast %jit3A_111 : i32 to vector<16xi32>
      %max3A_114 = arith.maxsi %max3A_113, %convert_element_type3A_108 : vector<16xi32>
      %min3A_115 = vector.broadcast %jit3A_112 : i32 to vector<16xi32>
      %min3A_116 = arith.minsi %min3A_115, %max3A_114 : vector<16xi32>
      %jit3A_117 = arith.constant -50 : i32
      %jit3A_118 = arith.constant 50 : i32
      %max3A_119 = vector.broadcast %jit3A_117 : i32 to vector<16xi32>
      %max3A_120 = arith.maxsi %max3A_119, %convert_element_type3A_110 : vector<16xi32>
      %min3A_121 = vector.broadcast %jit3A_118 : i32 to vector<16xi32>
      %min3A_122 = arith.minsi %min3A_121, %max3A_120 : vector<16xi32>
      %mul3A_123 = arith.constant 101 : i32
      %mul3A_124 = vector.broadcast %mul3A_123 : i32 to vector<16xi32>
      %mul3A_125 = arith.muli %min3A_116, %mul3A_124 : vector<16xi32>
      %add3A_126 = arith.addi %mul3A_125, %min3A_122 : vector<16xi32>
      %add3A_127 = arith.constant 5100 : i32
      %add3A_128 = vector.broadcast %add3A_127 : i32 to vector<16xi32>
      %add3A_129 = arith.addi %add3A_126, %add3A_128 : vector<16xi32>
      %gather3A_130 = tpu.vector_load_idx %arg13[%add3A_129] : memref<10208xf32, #tpu.memory_space<vmem>>[vector<16xi32>], vector<16xf32>,
      %gather3A_131 = tpu.vector_load_idx %arg14[%add3A_129] : memref<10208xf32, #tpu.memory_space<vmem>>[vector<16xi32>], vector<16xf32>,
      %gather3A_132 = tpu.vector_load_idx %arg15[%add3A_129] : memref<10208xf32, #tpu.memory_space<vmem>>[vector<16xi32>], vector<16xf32>,
      %add3A_133 = arith.addf %add3A_99, %gather3A_130 : vector<16xf32>
      %add3A_134 = arith.addf %add3A_100, %gather3A_131 : vector<16xf32>
      %add3A_135 = arith.addf %add3A_101, %gather3A_132 : vector<16xf32>
      %scan3A_136 = arith.constant 2 : i32
      %scan3A_137 = arith.addi %scan3A_72, %scan3A_136 : i32
      %broadcast_in_dim3A_138 = vector.broadcast %scan3A_137 : i32 to vector<16xi32>
      %gather3A_139 = tpu.vector_load_idx %arg11[%broadcast_in_dim3A_138] : memref<4096xf32, #tpu.memory_space<vmem>>[vector<16xi32>], vector<16xf32>,
      %gather3A_140 = tpu.vector_load_idx %arg12[%broadcast_in_dim3A_138] : memref<4096xf32, #tpu.memory_space<vmem>>[vector<16xi32>], vector<16xf32>,
      %sub3A_141 = arith.subf %gather3A_139, %get3A_25 : vector<16xf32>
      %convert_element_type3A_142 = arith.fptosi %sub3A_141 : vector<16xf32> to vector<16xi32>
      %sub3A_143 = arith.subf %gather3A_140, %get3A_27 : vector<16xf32>
      %convert_element_type3A_144 = arith.fptosi %sub3A_143 : vector<16xf32> to vector<16xi32>
      %jit3A_145 = arith.constant -50 : i32
      %jit3A_146 = arith.constant 50 : i32
      %max3A_147 = vector.broadcast %jit3A_145 : i32 to vector<16xi32>
      %max3A_148 = arith.maxsi %max3A_147, %convert_element_type3A_142 : vector<16xi32>
      %min3A_149 = vector.broadcast %jit3A_146 : i32 to vector<16xi32>
      %min3A_150 = arith.minsi %min3A_149, %max3A_148 : vector<16xi32>
      %jit3A_151 = arith.constant -50 : i32
      %jit3A_152 = arith.constant 50 : i32
      %max3A_153 = vector.broadcast %jit3A_151 : i32 to vector<16xi32>
      %max3A_154 = arith.maxsi %max3A_153, %convert_element_type3A_144 : vector<16xi32>
      %min3A_155 = vector.broadcast %jit3A_152 : i32 to vector<16xi32>
      %min3A_156 = arith.minsi %min3A_155, %max3A_154 : vector<16xi32>
      %mul3A_157 = arith.constant 101 : i32
      %mul3A_158 = vector.broadcast %mul3A_157 : i32 to vector<16xi32>
      %mul3A_159 = arith.muli %min3A_150, %mul3A_158 : vector<16xi32>
      %add3A_160 = arith.addi %mul3A_159, %min3A_156 : vector<16xi32>
      %add3A_161 = arith.constant 5100 : i32
      %add3A_162 = vector.broadcast %add3A_161 : i32 to vector<16xi32>
      %add3A_163 = arith.addi %add3A_160, %add3A_162 : vector<16xi32>
      %gather3A_164 = tpu.vector_load_idx %arg13[%add3A_163] : memref<10208xf32, #tpu.memory_space<vmem>>[vector<16xi32>], vector<16xf32>,
      %gather3A_165 = tpu.vector_load_idx %arg14[%add3A_163] : memref<10208xf32, #tpu.memory_space<vmem>>[vector<16xi32>], vector<16xf32>,
      %gather3A_166 = tpu.vector_load_idx %arg15[%add3A_163] : memref<10208xf32, #tpu.memory_space<vmem>>[vector<16xi32>], vector<16xf32>,
      %add3A_167 = arith.addf %add3A_133, %gather3A_164 : vector<16xf32>
      %add3A_168 = arith.addf %add3A_134, %gather3A_165 : vector<16xf32>
      %add3A_169 = arith.addf %add3A_135, %gather3A_166 : vector<16xf32>
      %scan3A_170 = arith.constant 3 : i32
      %scan3A_171 = arith.addi %scan3A_72, %scan3A_170 : i32
      %broadcast_in_dim3A_172 = vector.broadcast %scan3A_171 : i32 to vector<16xi32>
      %gather3A_173 = tpu.vector_load_idx %arg11[%broadcast_in_dim3A_172] : memref<4096xf32, #tpu.memory_space<vmem>>[vector<16xi32>], vector<16xf32>,
      %gather3A_174 = tpu.vector_load_idx %arg12[%broadcast_in_dim3A_172] : memref<4096xf32, #tpu.memory_space<vmem>>[vector<16xi32>], vector<16xf32>,
      %sub3A_175 = arith.subf %gather3A_173, %get3A_25 : vector<16xf32>
      %convert_element_type3A_176 = arith.fptosi %sub3A_175 : vector<16xf32> to vector<16xi32>
      %sub3A_177 = arith.subf %gather3A_174, %get3A_27 : vector<16xf32>
      %convert_element_type3A_178 = arith.fptosi %sub3A_177 : vector<16xf32> to vector<16xi32>
      %jit3A_179 = arith.constant -50 : i32
      %jit3A_180 = arith.constant 50 : i32
      %max3A_181 = vector.broadcast %jit3A_179 : i32 to vector<16xi32>
      %max3A_182 = arith.maxsi %max3A_181, %convert_element_type3A_176 : vector<16xi32>
      %min3A_183 = vector.broadcast %jit3A_180 : i32 to vector<16xi32>
      %min3A_184 = arith.minsi %min3A_183, %max3A_182 : vector<16xi32>
      %jit3A_185 = arith.constant -50 : i32
      %jit3A_186 = arith.constant 50 : i32
      %max3A_187 = vector.broadcast %jit3A_185 : i32 to vector<16xi32>
      %max3A_188 = arith.maxsi %max3A_187, %convert_element_type3A_178 : vector<16xi32>
      %min3A_189 = vector.broadcast %jit3A_186 : i32 to vector<16xi32>
      %min3A_190 = arith.minsi %min3A_189, %max3A_188 : vector<16xi32>
      %mul3A_191 = arith.constant 101 : i32
      %mul3A_192 = vector.broadcast %mul3A_191 : i32 to vector<16xi32>
      %mul3A_193 = arith.muli %min3A_184, %mul3A_192 : vector<16xi32>
      %add3A_194 = arith.addi %mul3A_193, %min3A_190 : vector<16xi32>
      %add3A_195 = arith.constant 5100 : i32
      %add3A_196 = vector.broadcast %add3A_195 : i32 to vector<16xi32>
      %add3A_197 = arith.addi %add3A_194, %add3A_196 : vector<16xi32>
      %gather3A_198 = tpu.vector_load_idx %arg13[%add3A_197] : memref<10208xf32, #tpu.memory_space<vmem>>[vector<16xi32>], vector<16xf32>,
      %gather3A_199 = tpu.vector_load_idx %arg14[%add3A_197] : memref<10208xf32, #tpu.memory_space<vmem>>[vector<16xi32>], vector<16xf32>,
      %gather3A_200 = tpu.vector_load_idx %arg15[%add3A_197] : memref<10208xf32, #tpu.memory_space<vmem>>[vector<16xi32>], vector<16xf32>,
      %add3A_201 = arith.addf %add3A_167, %gather3A_198 : vector<16xf32>
      %add3A_202 = arith.addf %add3A_168, %gather3A_199 : vector<16xf32>
      %add3A_203 = arith.addf %add3A_169, %gather3A_200 : vector<16xf32>
      scf.yield %add3A_201, %add3A_202, %add3A_203 : vector<16xf32>, vector<16xf32>, vector<16xf32>
    }
    %scan3A_33 = arith.constant 4096 : i32
    %swap3A_34 = arith.constant 16 : index
    %swap3A_35 = tpu.vector_load %arg18[%swap3A_34] {strides = array<i32>} : memref<64xf32, #tpu.memory_space<vmem>>, vector<16xf32>,
    tpu.vector_store %arg18[%swap3A_34], %scan3A_32#0 {strides = array<i32>} : memref<64xf32, #tpu.memory_space<vmem>>, vector<16xf32>,
    %swap3A_36 = arith.constant 16 : index
    %swap3A_37 = tpu.vector_load %arg19[%swap3A_36] {strides = array<i32>} : memref<64xf32, #tpu.memory_space<vmem>>, vector<16xf32>,
    tpu.vector_store %arg19[%swap3A_36], %scan3A_32#1 {strides = array<i32>} : memref<64xf32, #tpu.memory_space<vmem>>, vector<16xf32>,
    %swap3A_38 = arith.constant 16 : index
    %swap3A_39 = tpu.vector_load %arg20[%swap3A_38] {strides = array<i32>} : memref<64xf32, #tpu.memory_space<vmem>>, vector<16xf32>,
    tpu.vector_store %arg20[%swap3A_38], %scan3A_32#2 {strides = array<i32>} : memref<64xf32, #tpu.memory_space<vmem>>, vector<16xf32>,
    %get3A_40 = arith.constant 32 : index
    %get3A_41 = tpu.vector_load %arg16[%get3A_40] {strides = array<i32>} : memref<64xf32, #tpu.memory_space<vmem>>, vector<16xf32>,
    %get3A_42 = arith.constant 32 : index
    %get3A_43 = tpu.vector_load %arg17[%get3A_42] {strides = array<i32>} : memref<64xf32, #tpu.memory_space<vmem>>, vector<16xf32>,
    %scan3A_44 = arith.constant 0 : i32
    %scan3A_45 = arith.constant 4096 : i32
    %scan3A_46 = arith.addi %scan3A_44, %scan3A_45 : i32
    %scan3A_47 = arith.constant 4 : i32
    %scan3A_48:3 = scf.for %scan3A_72 = %scan3A_44 to %scan3A_46 step %scan3A_47 iter_args(%scan3A_73 = %broadcast_in_dim3A_9, %scan3A_74 = %broadcast_in_dim3A_9, %scan3A_75 = %broadcast_in_dim3A_9) -> (vector<16xf32>, vector<16xf32>, vector<16xf32>)  : i32 {
      %broadcast_in_dim3A_76 = vector.broadcast %scan3A_72 : i32 to vector<16xi32>
      %gather3A = tpu.vector_load_idx %arg11[%broadcast_in_dim3A_76] : memref<4096xf32, #tpu.memory_space<vmem>>[vector<16xi32>], vector<16xf32>,
      %gather3A_77 = tpu.vector_load_idx %arg12[%broadcast_in_dim3A_76] : memref<4096xf32, #tpu.memory_space<vmem>>[vector<16xi32>], vector<16xf32>,
      %sub3A = arith.subf %gather3A, %get3A_41 : vector<16xf32>
      %convert_element_type3A = arith.fptosi %sub3A : vector<16xf32> to vector<16xi32>
      %sub3A_78 = arith.subf %gather3A_77, %get3A_43 : vector<16xf32>
      %convert_element_type3A_79 = arith.fptosi %sub3A_78 : vector<16xf32> to vector<16xi32>
      %jit3A = arith.constant -50 : i32
      %jit3A_80 = arith.constant 50 : i32
      %max3A = vector.broadcast %jit3A : i32 to vector<16xi32>
      %max3A_81 = arith.maxsi %max3A, %convert_element_type3A : vector<16xi32>
      %min3A = vector.broadcast %jit3A_80 : i32 to vector<16xi32>
      %min3A_82 = arith.minsi %min3A, %max3A_81 : vector<16xi32>
      %jit3A_83 = arith.constant -50 : i32
      %jit3A_84 = arith.constant 50 : i32
      %max3A_85 = vector.broadcast %jit3A_83 : i32 to vector<16xi32>
      %max3A_86 = arith.maxsi %max3A_85, %convert_element_type3A_79 : vector<16xi32>
      %min3A_87 = vector.broadcast %jit3A_84 : i32 to vector<16xi32>
      %min3A_88 = arith.minsi %min3A_87, %max3A_86 : vector<16xi32>
      %mul3A_89 = arith.constant 101 : i32
      %mul3A_90 = vector.broadcast %mul3A_89 : i32 to vector<16xi32>
      %mul3A_91 = arith.muli %min3A_82, %mul3A_90 : vector<16xi32>
      %add3A_92 = arith.addi %mul3A_91, %min3A_88 : vector<16xi32>
      %add3A_93 = arith.constant 5100 : i32
      %add3A_94 = vector.broadcast %add3A_93 : i32 to vector<16xi32>
      %add3A_95 = arith.addi %add3A_92, %add3A_94 : vector<16xi32>
      %gather3A_96 = tpu.vector_load_idx %arg13[%add3A_95] : memref<10208xf32, #tpu.memory_space<vmem>>[vector<16xi32>], vector<16xf32>,
      %gather3A_97 = tpu.vector_load_idx %arg14[%add3A_95] : memref<10208xf32, #tpu.memory_space<vmem>>[vector<16xi32>], vector<16xf32>,
      %gather3A_98 = tpu.vector_load_idx %arg15[%add3A_95] : memref<10208xf32, #tpu.memory_space<vmem>>[vector<16xi32>], vector<16xf32>,
      %add3A_99 = arith.addf %scan3A_73, %gather3A_96 : vector<16xf32>
      %add3A_100 = arith.addf %scan3A_74, %gather3A_97 : vector<16xf32>
      %add3A_101 = arith.addf %scan3A_75, %gather3A_98 : vector<16xf32>
      %scan3A_102 = arith.constant 1 : i32
      %scan3A_103 = arith.addi %scan3A_72, %scan3A_102 : i32
      %broadcast_in_dim3A_104 = vector.broadcast %scan3A_103 : i32 to vector<16xi32>
      %gather3A_105 = tpu.vector_load_idx %arg11[%broadcast_in_dim3A_104] : memref<4096xf32, #tpu.memory_space<vmem>>[vector<16xi32>], vector<16xf32>,
      %gather3A_106 = tpu.vector_load_idx %arg12[%broadcast_in_dim3A_104] : memref<4096xf32, #tpu.memory_space<vmem>>[vector<16xi32>], vector<16xf32>,
      %sub3A_107 = arith.subf %gather3A_105, %get3A_41 : vector<16xf32>
      %convert_element_type3A_108 = arith.fptosi %sub3A_107 : vector<16xf32> to vector<16xi32>
      %sub3A_109 = arith.subf %gather3A_106, %get3A_43 : vector<16xf32>
      %convert_element_type3A_110 = arith.fptosi %sub3A_109 : vector<16xf32> to vector<16xi32>
      %jit3A_111 = arith.constant -50 : i32
      %jit3A_112 = arith.constant 50 : i32
      %max3A_113 = vector.broadcast %jit3A_111 : i32 to vector<16xi32>
      %max3A_114 = arith.maxsi %max3A_113, %convert_element_type3A_108 : vector<16xi32>
      %min3A_115 = vector.broadcast %jit3A_112 : i32 to vector<16xi32>
      %min3A_116 = arith.minsi %min3A_115, %max3A_114 : vector<16xi32>
      %jit3A_117 = arith.constant -50 : i32
      %jit3A_118 = arith.constant 50 : i32
      %max3A_119 = vector.broadcast %jit3A_117 : i32 to vector<16xi32>
      %max3A_120 = arith.maxsi %max3A_119, %convert_element_type3A_110 : vector<16xi32>
      %min3A_121 = vector.broadcast %jit3A_118 : i32 to vector<16xi32>
      %min3A_122 = arith.minsi %min3A_121, %max3A_120 : vector<16xi32>
      %mul3A_123 = arith.constant 101 : i32
      %mul3A_124 = vector.broadcast %mul3A_123 : i32 to vector<16xi32>
      %mul3A_125 = arith.muli %min3A_116, %mul3A_124 : vector<16xi32>
      %add3A_126 = arith.addi %mul3A_125, %min3A_122 : vector<16xi32>
      %add3A_127 = arith.constant 5100 : i32
      %add3A_128 = vector.broadcast %add3A_127 : i32 to vector<16xi32>
      %add3A_129 = arith.addi %add3A_126, %add3A_128 : vector<16xi32>
      %gather3A_130 = tpu.vector_load_idx %arg13[%add3A_129] : memref<10208xf32, #tpu.memory_space<vmem>>[vector<16xi32>], vector<16xf32>,
      %gather3A_131 = tpu.vector_load_idx %arg14[%add3A_129] : memref<10208xf32, #tpu.memory_space<vmem>>[vector<16xi32>], vector<16xf32>,
      %gather3A_132 = tpu.vector_load_idx %arg15[%add3A_129] : memref<10208xf32, #tpu.memory_space<vmem>>[vector<16xi32>], vector<16xf32>,
      %add3A_133 = arith.addf %add3A_99, %gather3A_130 : vector<16xf32>
      %add3A_134 = arith.addf %add3A_100, %gather3A_131 : vector<16xf32>
      %add3A_135 = arith.addf %add3A_101, %gather3A_132 : vector<16xf32>
      %scan3A_136 = arith.constant 2 : i32
      %scan3A_137 = arith.addi %scan3A_72, %scan3A_136 : i32
      %broadcast_in_dim3A_138 = vector.broadcast %scan3A_137 : i32 to vector<16xi32>
      %gather3A_139 = tpu.vector_load_idx %arg11[%broadcast_in_dim3A_138] : memref<4096xf32, #tpu.memory_space<vmem>>[vector<16xi32>], vector<16xf32>,
      %gather3A_140 = tpu.vector_load_idx %arg12[%broadcast_in_dim3A_138] : memref<4096xf32, #tpu.memory_space<vmem>>[vector<16xi32>], vector<16xf32>,
      %sub3A_141 = arith.subf %gather3A_139, %get3A_41 : vector<16xf32>
      %convert_element_type3A_142 = arith.fptosi %sub3A_141 : vector<16xf32> to vector<16xi32>
      %sub3A_143 = arith.subf %gather3A_140, %get3A_43 : vector<16xf32>
      %convert_element_type3A_144 = arith.fptosi %sub3A_143 : vector<16xf32> to vector<16xi32>
      %jit3A_145 = arith.constant -50 : i32
      %jit3A_146 = arith.constant 50 : i32
      %max3A_147 = vector.broadcast %jit3A_145 : i32 to vector<16xi32>
      %max3A_148 = arith.maxsi %max3A_147, %convert_element_type3A_142 : vector<16xi32>
      %min3A_149 = vector.broadcast %jit3A_146 : i32 to vector<16xi32>
      %min3A_150 = arith.minsi %min3A_149, %max3A_148 : vector<16xi32>
      %jit3A_151 = arith.constant -50 : i32
      %jit3A_152 = arith.constant 50 : i32
      %max3A_153 = vector.broadcast %jit3A_151 : i32 to vector<16xi32>
      %max3A_154 = arith.maxsi %max3A_153, %convert_element_type3A_144 : vector<16xi32>
      %min3A_155 = vector.broadcast %jit3A_152 : i32 to vector<16xi32>
      %min3A_156 = arith.minsi %min3A_155, %max3A_154 : vector<16xi32>
      %mul3A_157 = arith.constant 101 : i32
      %mul3A_158 = vector.broadcast %mul3A_157 : i32 to vector<16xi32>
      %mul3A_159 = arith.muli %min3A_150, %mul3A_158 : vector<16xi32>
      %add3A_160 = arith.addi %mul3A_159, %min3A_156 : vector<16xi32>
      %add3A_161 = arith.constant 5100 : i32
      %add3A_162 = vector.broadcast %add3A_161 : i32 to vector<16xi32>
      %add3A_163 = arith.addi %add3A_160, %add3A_162 : vector<16xi32>
      %gather3A_164 = tpu.vector_load_idx %arg13[%add3A_163] : memref<10208xf32, #tpu.memory_space<vmem>>[vector<16xi32>], vector<16xf32>,
      %gather3A_165 = tpu.vector_load_idx %arg14[%add3A_163] : memref<10208xf32, #tpu.memory_space<vmem>>[vector<16xi32>], vector<16xf32>,
      %gather3A_166 = tpu.vector_load_idx %arg15[%add3A_163] : memref<10208xf32, #tpu.memory_space<vmem>>[vector<16xi32>], vector<16xf32>,
      %add3A_167 = arith.addf %add3A_133, %gather3A_164 : vector<16xf32>
      %add3A_168 = arith.addf %add3A_134, %gather3A_165 : vector<16xf32>
      %add3A_169 = arith.addf %add3A_135, %gather3A_166 : vector<16xf32>
      %scan3A_170 = arith.constant 3 : i32
      %scan3A_171 = arith.addi %scan3A_72, %scan3A_170 : i32
      %broadcast_in_dim3A_172 = vector.broadcast %scan3A_171 : i32 to vector<16xi32>
      %gather3A_173 = tpu.vector_load_idx %arg11[%broadcast_in_dim3A_172] : memref<4096xf32, #tpu.memory_space<vmem>>[vector<16xi32>], vector<16xf32>,
      %gather3A_174 = tpu.vector_load_idx %arg12[%broadcast_in_dim3A_172] : memref<4096xf32, #tpu.memory_space<vmem>>[vector<16xi32>], vector<16xf32>,
      %sub3A_175 = arith.subf %gather3A_173, %get3A_41 : vector<16xf32>
      %convert_element_type3A_176 = arith.fptosi %sub3A_175 : vector<16xf32> to vector<16xi32>
      %sub3A_177 = arith.subf %gather3A_174, %get3A_43 : vector<16xf32>
      %convert_element_type3A_178 = arith.fptosi %sub3A_177 : vector<16xf32> to vector<16xi32>
      %jit3A_179 = arith.constant -50 : i32
      %jit3A_180 = arith.constant 50 : i32
      %max3A_181 = vector.broadcast %jit3A_179 : i32 to vector<16xi32>
      %max3A_182 = arith.maxsi %max3A_181, %convert_element_type3A_176 : vector<16xi32>
      %min3A_183 = vector.broadcast %jit3A_180 : i32 to vector<16xi32>
      %min3A_184 = arith.minsi %min3A_183, %max3A_182 : vector<16xi32>
      %jit3A_185 = arith.constant -50 : i32
      %jit3A_186 = arith.constant 50 : i32
      %max3A_187 = vector.broadcast %jit3A_185 : i32 to vector<16xi32>
      %max3A_188 = arith.maxsi %max3A_187, %convert_element_type3A_178 : vector<16xi32>
      %min3A_189 = vector.broadcast %jit3A_186 : i32 to vector<16xi32>
      %min3A_190 = arith.minsi %min3A_189, %max3A_188 : vector<16xi32>
      %mul3A_191 = arith.constant 101 : i32
      %mul3A_192 = vector.broadcast %mul3A_191 : i32 to vector<16xi32>
      %mul3A_193 = arith.muli %min3A_184, %mul3A_192 : vector<16xi32>
      %add3A_194 = arith.addi %mul3A_193, %min3A_190 : vector<16xi32>
      %add3A_195 = arith.constant 5100 : i32
      %add3A_196 = vector.broadcast %add3A_195 : i32 to vector<16xi32>
      %add3A_197 = arith.addi %add3A_194, %add3A_196 : vector<16xi32>
      %gather3A_198 = tpu.vector_load_idx %arg13[%add3A_197] : memref<10208xf32, #tpu.memory_space<vmem>>[vector<16xi32>], vector<16xf32>,
      %gather3A_199 = tpu.vector_load_idx %arg14[%add3A_197] : memref<10208xf32, #tpu.memory_space<vmem>>[vector<16xi32>], vector<16xf32>,
      %gather3A_200 = tpu.vector_load_idx %arg15[%add3A_197] : memref<10208xf32, #tpu.memory_space<vmem>>[vector<16xi32>], vector<16xf32>,
      %add3A_201 = arith.addf %add3A_167, %gather3A_198 : vector<16xf32>
      %add3A_202 = arith.addf %add3A_168, %gather3A_199 : vector<16xf32>
      %add3A_203 = arith.addf %add3A_169, %gather3A_200 : vector<16xf32>
      scf.yield %add3A_201, %add3A_202, %add3A_203 : vector<16xf32>, vector<16xf32>, vector<16xf32>
    }
    %scan3A_49 = arith.constant 4096 : i32
    %swap3A_50 = arith.constant 32 : index
    %swap3A_51 = tpu.vector_load %arg18[%swap3A_50] {strides = array<i32>} : memref<64xf32, #tpu.memory_space<vmem>>, vector<16xf32>,
    tpu.vector_store %arg18[%swap3A_50], %scan3A_48#0 {strides = array<i32>} : memref<64xf32, #tpu.memory_space<vmem>>, vector<16xf32>,
    %swap3A_52 = arith.constant 32 : index
    %swap3A_53 = tpu.vector_load %arg19[%swap3A_52] {strides = array<i32>} : memref<64xf32, #tpu.memory_space<vmem>>, vector<16xf32>,
    tpu.vector_store %arg19[%swap3A_52], %scan3A_48#1 {strides = array<i32>} : memref<64xf32, #tpu.memory_space<vmem>>, vector<16xf32>,
    %swap3A_54 = arith.constant 32 : index
    %swap3A_55 = tpu.vector_load %arg20[%swap3A_54] {strides = array<i32>} : memref<64xf32, #tpu.memory_space<vmem>>, vector<16xf32>,
    tpu.vector_store %arg20[%swap3A_54], %scan3A_48#2 {strides = array<i32>} : memref<64xf32, #tpu.memory_space<vmem>>, vector<16xf32>,
    %get3A_56 = arith.constant 48 : index
    %get3A_57 = tpu.vector_load %arg16[%get3A_56] {strides = array<i32>} : memref<64xf32, #tpu.memory_space<vmem>>, vector<16xf32>,
    %get3A_58 = arith.constant 48 : index
    %get3A_59 = tpu.vector_load %arg17[%get3A_58] {strides = array<i32>} : memref<64xf32, #tpu.memory_space<vmem>>, vector<16xf32>,
    %scan3A_60 = arith.constant 0 : i32
    %scan3A_61 = arith.constant 4096 : i32
    %scan3A_62 = arith.addi %scan3A_60, %scan3A_61 : i32
    %scan3A_63 = arith.constant 4 : i32
    %scan3A_64:3 = scf.for %scan3A_72 = %scan3A_60 to %scan3A_62 step %scan3A_63 iter_args(%scan3A_73 = %broadcast_in_dim3A_9, %scan3A_74 = %broadcast_in_dim3A_9, %scan3A_75 = %broadcast_in_dim3A_9) -> (vector<16xf32>, vector<16xf32>, vector<16xf32>)  : i32 {
      %broadcast_in_dim3A_76 = vector.broadcast %scan3A_72 : i32 to vector<16xi32>
      %gather3A = tpu.vector_load_idx %arg11[%broadcast_in_dim3A_76] : memref<4096xf32, #tpu.memory_space<vmem>>[vector<16xi32>], vector<16xf32>,
      %gather3A_77 = tpu.vector_load_idx %arg12[%broadcast_in_dim3A_76] : memref<4096xf32, #tpu.memory_space<vmem>>[vector<16xi32>], vector<16xf32>,
      %sub3A = arith.subf %gather3A, %get3A_57 : vector<16xf32>
      %convert_element_type3A = arith.fptosi %sub3A : vector<16xf32> to vector<16xi32>
      %sub3A_78 = arith.subf %gather3A_77, %get3A_59 : vector<16xf32>
      %convert_element_type3A_79 = arith.fptosi %sub3A_78 : vector<16xf32> to vector<16xi32>
      %jit3A = arith.constant -50 : i32
      %jit3A_80 = arith.constant 50 : i32
      %max3A = vector.broadcast %jit3A : i32 to vector<16xi32>
      %max3A_81 = arith.maxsi %max3A, %convert_element_type3A : vector<16xi32>
      %min3A = vector.broadcast %jit3A_80 : i32 to vector<16xi32>
      %min3A_82 = arith.minsi %min3A, %max3A_81 : vector<16xi32>
      %jit3A_83 = arith.constant -50 : i32
      %jit3A_84 = arith.constant 50 : i32
      %max3A_85 = vector.broadcast %jit3A_83 : i32 to vector<16xi32>
      %max3A_86 = arith.maxsi %max3A_85, %convert_element_type3A_79 : vector<16xi32>
      %min3A_87 = vector.broadcast %jit3A_84 : i32 to vector<16xi32>
      %min3A_88 = arith.minsi %min3A_87, %max3A_86 : vector<16xi32>
      %mul3A_89 = arith.constant 101 : i32
      %mul3A_90 = vector.broadcast %mul3A_89 : i32 to vector<16xi32>
      %mul3A_91 = arith.muli %min3A_82, %mul3A_90 : vector<16xi32>
      %add3A_92 = arith.addi %mul3A_91, %min3A_88 : vector<16xi32>
      %add3A_93 = arith.constant 5100 : i32
      %add3A_94 = vector.broadcast %add3A_93 : i32 to vector<16xi32>
      %add3A_95 = arith.addi %add3A_92, %add3A_94 : vector<16xi32>
      %gather3A_96 = tpu.vector_load_idx %arg13[%add3A_95] : memref<10208xf32, #tpu.memory_space<vmem>>[vector<16xi32>], vector<16xf32>,
      %gather3A_97 = tpu.vector_load_idx %arg14[%add3A_95] : memref<10208xf32, #tpu.memory_space<vmem>>[vector<16xi32>], vector<16xf32>,
      %gather3A_98 = tpu.vector_load_idx %arg15[%add3A_95] : memref<10208xf32, #tpu.memory_space<vmem>>[vector<16xi32>], vector<16xf32>,
      %add3A_99 = arith.addf %scan3A_73, %gather3A_96 : vector<16xf32>
      %add3A_100 = arith.addf %scan3A_74, %gather3A_97 : vector<16xf32>
      %add3A_101 = arith.addf %scan3A_75, %gather3A_98 : vector<16xf32>
      %scan3A_102 = arith.constant 1 : i32
      %scan3A_103 = arith.addi %scan3A_72, %scan3A_102 : i32
      %broadcast_in_dim3A_104 = vector.broadcast %scan3A_103 : i32 to vector<16xi32>
      %gather3A_105 = tpu.vector_load_idx %arg11[%broadcast_in_dim3A_104] : memref<4096xf32, #tpu.memory_space<vmem>>[vector<16xi32>], vector<16xf32>,
      %gather3A_106 = tpu.vector_load_idx %arg12[%broadcast_in_dim3A_104] : memref<4096xf32, #tpu.memory_space<vmem>>[vector<16xi32>], vector<16xf32>,
      %sub3A_107 = arith.subf %gather3A_105, %get3A_57 : vector<16xf32>
      %convert_element_type3A_108 = arith.fptosi %sub3A_107 : vector<16xf32> to vector<16xi32>
      %sub3A_109 = arith.subf %gather3A_106, %get3A_59 : vector<16xf32>
      %convert_element_type3A_110 = arith.fptosi %sub3A_109 : vector<16xf32> to vector<16xi32>
      %jit3A_111 = arith.constant -50 : i32
      %jit3A_112 = arith.constant 50 : i32
      %max3A_113 = vector.broadcast %jit3A_111 : i32 to vector<16xi32>
      %max3A_114 = arith.maxsi %max3A_113, %convert_element_type3A_108 : vector<16xi32>
      %min3A_115 = vector.broadcast %jit3A_112 : i32 to vector<16xi32>
      %min3A_116 = arith.minsi %min3A_115, %max3A_114 : vector<16xi32>
      %jit3A_117 = arith.constant -50 : i32
      %jit3A_118 = arith.constant 50 : i32
      %max3A_119 = vector.broadcast %jit3A_117 : i32 to vector<16xi32>
      %max3A_120 = arith.maxsi %max3A_119, %convert_element_type3A_110 : vector<16xi32>
      %min3A_121 = vector.broadcast %jit3A_118 : i32 to vector<16xi32>
      %min3A_122 = arith.minsi %min3A_121, %max3A_120 : vector<16xi32>
      %mul3A_123 = arith.constant 101 : i32
      %mul3A_124 = vector.broadcast %mul3A_123 : i32 to vector<16xi32>
      %mul3A_125 = arith.muli %min3A_116, %mul3A_124 : vector<16xi32>
      %add3A_126 = arith.addi %mul3A_125, %min3A_122 : vector<16xi32>
      %add3A_127 = arith.constant 5100 : i32
      %add3A_128 = vector.broadcast %add3A_127 : i32 to vector<16xi32>
      %add3A_129 = arith.addi %add3A_126, %add3A_128 : vector<16xi32>
      %gather3A_130 = tpu.vector_load_idx %arg13[%add3A_129] : memref<10208xf32, #tpu.memory_space<vmem>>[vector<16xi32>], vector<16xf32>,
      %gather3A_131 = tpu.vector_load_idx %arg14[%add3A_129] : memref<10208xf32, #tpu.memory_space<vmem>>[vector<16xi32>], vector<16xf32>,
      %gather3A_132 = tpu.vector_load_idx %arg15[%add3A_129] : memref<10208xf32, #tpu.memory_space<vmem>>[vector<16xi32>], vector<16xf32>,
      %add3A_133 = arith.addf %add3A_99, %gather3A_130 : vector<16xf32>
      %add3A_134 = arith.addf %add3A_100, %gather3A_131 : vector<16xf32>
      %add3A_135 = arith.addf %add3A_101, %gather3A_132 : vector<16xf32>
      %scan3A_136 = arith.constant 2 : i32
      %scan3A_137 = arith.addi %scan3A_72, %scan3A_136 : i32
      %broadcast_in_dim3A_138 = vector.broadcast %scan3A_137 : i32 to vector<16xi32>
      %gather3A_139 = tpu.vector_load_idx %arg11[%broadcast_in_dim3A_138] : memref<4096xf32, #tpu.memory_space<vmem>>[vector<16xi32>], vector<16xf32>,
      %gather3A_140 = tpu.vector_load_idx %arg12[%broadcast_in_dim3A_138] : memref<4096xf32, #tpu.memory_space<vmem>>[vector<16xi32>], vector<16xf32>,
      %sub3A_141 = arith.subf %gather3A_139, %get3A_57 : vector<16xf32>
      %convert_element_type3A_142 = arith.fptosi %sub3A_141 : vector<16xf32> to vector<16xi32>
      %sub3A_143 = arith.subf %gather3A_140, %get3A_59 : vector<16xf32>
      %convert_element_type3A_144 = arith.fptosi %sub3A_143 : vector<16xf32> to vector<16xi32>
      %jit3A_145 = arith.constant -50 : i32
      %jit3A_146 = arith.constant 50 : i32
      %max3A_147 = vector.broadcast %jit3A_145 : i32 to vector<16xi32>
      %max3A_148 = arith.maxsi %max3A_147, %convert_element_type3A_142 : vector<16xi32>
      %min3A_149 = vector.broadcast %jit3A_146 : i32 to vector<16xi32>
      %min3A_150 = arith.minsi %min3A_149, %max3A_148 : vector<16xi32>
      %jit3A_151 = arith.constant -50 : i32
      %jit3A_152 = arith.constant 50 : i32
      %max3A_153 = vector.broadcast %jit3A_151 : i32 to vector<16xi32>
      %max3A_154 = arith.maxsi %max3A_153, %convert_element_type3A_144 : vector<16xi32>
      %min3A_155 = vector.broadcast %jit3A_152 : i32 to vector<16xi32>
      %min3A_156 = arith.minsi %min3A_155, %max3A_154 : vector<16xi32>
      %mul3A_157 = arith.constant 101 : i32
      %mul3A_158 = vector.broadcast %mul3A_157 : i32 to vector<16xi32>
      %mul3A_159 = arith.muli %min3A_150, %mul3A_158 : vector<16xi32>
      %add3A_160 = arith.addi %mul3A_159, %min3A_156 : vector<16xi32>
      %add3A_161 = arith.constant 5100 : i32
      %add3A_162 = vector.broadcast %add3A_161 : i32 to vector<16xi32>
      %add3A_163 = arith.addi %add3A_160, %add3A_162 : vector<16xi32>
      %gather3A_164 = tpu.vector_load_idx %arg13[%add3A_163] : memref<10208xf32, #tpu.memory_space<vmem>>[vector<16xi32>], vector<16xf32>,
      %gather3A_165 = tpu.vector_load_idx %arg14[%add3A_163] : memref<10208xf32, #tpu.memory_space<vmem>>[vector<16xi32>], vector<16xf32>,
      %gather3A_166 = tpu.vector_load_idx %arg15[%add3A_163] : memref<10208xf32, #tpu.memory_space<vmem>>[vector<16xi32>], vector<16xf32>,
      %add3A_167 = arith.addf %add3A_133, %gather3A_164 : vector<16xf32>
      %add3A_168 = arith.addf %add3A_134, %gather3A_165 : vector<16xf32>
      %add3A_169 = arith.addf %add3A_135, %gather3A_166 : vector<16xf32>
      %scan3A_170 = arith.constant 3 : i32
      %scan3A_171 = arith.addi %scan3A_72, %scan3A_170 : i32
      %broadcast_in_dim3A_172 = vector.broadcast %scan3A_171 : i32 to vector<16xi32>
      %gather3A_173 = tpu.vector_load_idx %arg11[%broadcast_in_dim3A_172] : memref<4096xf32, #tpu.memory_space<vmem>>[vector<16xi32>], vector<16xf32>,
      %gather3A_174 = tpu.vector_load_idx %arg12[%broadcast_in_dim3A_172] : memref<4096xf32, #tpu.memory_space<vmem>>[vector<16xi32>], vector<16xf32>,
      %sub3A_175 = arith.subf %gather3A_173, %get3A_57 : vector<16xf32>
      %convert_element_type3A_176 = arith.fptosi %sub3A_175 : vector<16xf32> to vector<16xi32>
      %sub3A_177 = arith.subf %gather3A_174, %get3A_59 : vector<16xf32>
      %convert_element_type3A_178 = arith.fptosi %sub3A_177 : vector<16xf32> to vector<16xi32>
      %jit3A_179 = arith.constant -50 : i32
      %jit3A_180 = arith.constant 50 : i32
      %max3A_181 = vector.broadcast %jit3A_179 : i32 to vector<16xi32>
      %max3A_182 = arith.maxsi %max3A_181, %convert_element_type3A_176 : vector<16xi32>
      %min3A_183 = vector.broadcast %jit3A_180 : i32 to vector<16xi32>
      %min3A_184 = arith.minsi %min3A_183, %max3A_182 : vector<16xi32>
      %jit3A_185 = arith.constant -50 : i32
      %jit3A_186 = arith.constant 50 : i32
      %max3A_187 = vector.broadcast %jit3A_185 : i32 to vector<16xi32>
      %max3A_188 = arith.maxsi %max3A_187, %convert_element_type3A_178 : vector<16xi32>
      %min3A_189 = vector.broadcast %jit3A_186 : i32 to vector<16xi32>
      %min3A_190 = arith.minsi %min3A_189, %max3A_188 : vector<16xi32>
      %mul3A_191 = arith.constant 101 : i32
      %mul3A_192 = vector.broadcast %mul3A_191 : i32 to vector<16xi32>
      %mul3A_193 = arith.muli %min3A_184, %mul3A_192 : vector<16xi32>
      %add3A_194 = arith.addi %mul3A_193, %min3A_190 : vector<16xi32>
      %add3A_195 = arith.constant 5100 : i32
      %add3A_196 = vector.broadcast %add3A_195 : i32 to vector<16xi32>
      %add3A_197 = arith.addi %add3A_194, %add3A_196 : vector<16xi32>
      %gather3A_198 = tpu.vector_load_idx %arg13[%add3A_197] : memref<10208xf32, #tpu.memory_space<vmem>>[vector<16xi32>], vector<16xf32>,
      %gather3A_199 = tpu.vector_load_idx %arg14[%add3A_197] : memref<10208xf32, #tpu.memory_space<vmem>>[vector<16xi32>], vector<16xf32>,
      %gather3A_200 = tpu.vector_load_idx %arg15[%add3A_197] : memref<10208xf32, #tpu.memory_space<vmem>>[vector<16xi32>], vector<16xf32>,
      %add3A_201 = arith.addf %add3A_167, %gather3A_198 : vector<16xf32>
      %add3A_202 = arith.addf %add3A_168, %gather3A_199 : vector<16xf32>
      %add3A_203 = arith.addf %add3A_169, %gather3A_200 : vector<16xf32>
      scf.yield %add3A_201, %add3A_202, %add3A_203 : vector<16xf32>, vector<16xf32>, vector<16xf32>
    }
    %scan3A_65 = arith.constant 4096 : i32
    %swap3A_66 = arith.constant 48 : index
    %swap3A_67 = tpu.vector_load %arg18[%swap3A_66] {strides = array<i32>} : memref<64xf32, #tpu.memory_space<vmem>>, vector<16xf32>,
    tpu.vector_store %arg18[%swap3A_66], %scan3A_64#0 {strides = array<i32>} : memref<64xf32, #tpu.memory_space<vmem>>, vector<16xf32>,
    %swap3A_68 = arith.constant 48 : index
    %swap3A_69 = tpu.vector_load %arg19[%swap3A_68] {strides = array<i32>} : memref<64xf32, #tpu.memory_space<vmem>>, vector<16xf32>,
    tpu.vector_store %arg19[%swap3A_68], %scan3A_64#1 {strides = array<i32>} : memref<64xf32, #tpu.memory_space<vmem>>, vector<16xf32>,
    %swap3A_70 = arith.constant 48 : index
    %swap3A_71 = tpu.vector_load %arg20[%swap3A_70] {strides = array<i32>} : memref<64xf32, #tpu.memory_space<vmem>>, vector<16xf32>,
    tpu.vector_store %arg20[%swap3A_70], %scan3A_64#2 {strides = array<i32>} : memref<64xf32, #tpu.memory_space<vmem>>, vector<16xf32>,
    "tpu.region"() ({
      %run_scoped3A = tpu.sem_alloc : memref<!tpu.dma_semaphore, #tpu.memory_space<semaphore_mem>>
      %dma_start3A = tpu.memref_slice %arg8[%mul3A_2] : memref<2048xf32, #tpu.memory_space<hbm>> -> memref<64xf32, #tpu.memory_space<hbm>>
      %dma_start3A_72 = tpu.memref_slice %arg8[%mul3A_2] : memref<2048xf32, #tpu.memory_space<hbm>> -> memref<64xf32, #tpu.memory_space<hbm>>
      tpu.enqueue_dma source(%arg18 : memref<64xf32, #tpu.memory_space<vmem>>) target(%dma_start3A_72 : memref<64xf32, #tpu.memory_space<hbm>>) target_semaphore(%run_scoped3A : memref<!tpu.dma_semaphore, #tpu.memory_space<semaphore_mem>>)
      %dma_wait3A = tpu.memref_slice %arg8[%mul3A_2] : memref<2048xf32, #tpu.memory_space<hbm>> -> memref<64xf32, #tpu.memory_space<hbm>>
      %dma_wait3A_73 = tpu.memref_slice %arg8[%mul3A_2] : memref<2048xf32, #tpu.memory_space<hbm>> -> memref<64xf32, #tpu.memory_space<hbm>>
      tpu.wait_dma2 semaphore(%run_scoped3A : memref<!tpu.dma_semaphore, #tpu.memory_space<semaphore_mem>>) src(%arg18 : memref<64xf32, #tpu.memory_space<vmem>>) dst(%dma_wait3A_73 : memref<64xf32, #tpu.memory_space<hbm>>)
      tpu.yield
    }) : () -> ()
    "tpu.region"() ({
      %run_scoped3A = tpu.sem_alloc : memref<!tpu.dma_semaphore, #tpu.memory_space<semaphore_mem>>
      %dma_start3A = tpu.memref_slice %arg9[%mul3A_2] : memref<2048xf32, #tpu.memory_space<hbm>> -> memref<64xf32, #tpu.memory_space<hbm>>
      %dma_start3A_72 = tpu.memref_slice %arg9[%mul3A_2] : memref<2048xf32, #tpu.memory_space<hbm>> -> memref<64xf32, #tpu.memory_space<hbm>>
      tpu.enqueue_dma source(%arg19 : memref<64xf32, #tpu.memory_space<vmem>>) target(%dma_start3A_72 : memref<64xf32, #tpu.memory_space<hbm>>) target_semaphore(%run_scoped3A : memref<!tpu.dma_semaphore, #tpu.memory_space<semaphore_mem>>)
      %dma_wait3A = tpu.memref_slice %arg9[%mul3A_2] : memref<2048xf32, #tpu.memory_space<hbm>> -> memref<64xf32, #tpu.memory_space<hbm>>
      %dma_wait3A_73 = tpu.memref_slice %arg9[%mul3A_2] : memref<2048xf32, #tpu.memory_space<hbm>> -> memref<64xf32, #tpu.memory_space<hbm>>
      tpu.wait_dma2 semaphore(%run_scoped3A : memref<!tpu.dma_semaphore, #tpu.memory_space<semaphore_mem>>) src(%arg19 : memref<64xf32, #tpu.memory_space<vmem>>) dst(%dma_wait3A_73 : memref<64xf32, #tpu.memory_space<hbm>>)
      tpu.yield
    }) : () -> ()
    "tpu.region"() ({
      %run_scoped3A = tpu.sem_alloc : memref<!tpu.dma_semaphore, #tpu.memory_space<semaphore_mem>>
      %dma_start3A = tpu.memref_slice %arg10[%mul3A_2] : memref<2048xf32, #tpu.memory_space<hbm>> -> memref<64xf32, #tpu.memory_space<hbm>>
      %dma_start3A_72 = tpu.memref_slice %arg10[%mul3A_2] : memref<2048xf32, #tpu.memory_space<hbm>> -> memref<64xf32, #tpu.memory_space<hbm>>
      tpu.enqueue_dma source(%arg20 : memref<64xf32, #tpu.memory_space<vmem>>) target(%dma_start3A_72 : memref<64xf32, #tpu.memory_space<hbm>>) target_semaphore(%run_scoped3A : memref<!tpu.dma_semaphore, #tpu.memory_space<semaphore_mem>>)
      %dma_wait3A = tpu.memref_slice %arg10[%mul3A_2] : memref<2048xf32, #tpu.memory_space<hbm>> -> memref<64xf32, #tpu.memory_space<hbm>>
      %dma_wait3A_73 = tpu.memref_slice %arg10[%mul3A_2] : memref<2048xf32, #tpu.memory_space<hbm>> -> memref<64xf32, #tpu.memory_space<hbm>>
      tpu.wait_dma2 semaphore(%run_scoped3A : memref<!tpu.dma_semaphore, #tpu.memory_space<semaphore_mem>>) src(%arg20 : memref<64xf32, #tpu.memory_space<vmem>>) dst(%dma_wait3A_73 : memref<64xf32, #tpu.memory_space<hbm>>)
      tpu.yield
    }) : () -> ()
    return
  }
}

module attributes {stable_mosaic.version = 14 : i64} {
  func.func @body(%arg0: i32, %arg1: memref<2048xf32, #tpu.memory_space<vmem>>, %arg2: memref<2048xf32, #tpu.memory_space<vmem>>, %arg3: memref<256x2048xf32, #tpu.memory_space<vmem>>, %arg4: memref<256x2048xf32, #tpu.memory_space<vmem>>, %arg5: memref<2048xf32, #tpu.memory_space<vmem>>, %arg6: memref<2048xf32, #tpu.memory_space<vmem>>, %arg7: memref<2048xf32, #tpu.memory_space<vmem>>, %arg8: memref<2048xf32, #tpu.memory_space<vmem>>, %arg9: memref<256xf32, #tpu.memory_space<vmem>>, %arg10: memref<256xf32, #tpu.memory_space<vmem>>) attributes {dimension_semantics = [#tpu.dimension_semantics<arbitrary>], iteration_bounds = array<i64: 8>, scalar_prefetch = 0 : i64, scratch_operands = 0 : i64, tpu.core_type = #tpu.core_type<tc>, window_params = [{pipeline_mode = #tpu.pipeline_mode<synchronous>, transform_indices = @transform_0, window_bounds = array<i64: 2048>}, {pipeline_mode = #tpu.pipeline_mode<synchronous>, transform_indices = @transform_1, window_bounds = array<i64: 2048>}, {transform_indices = @transform_2, window_bounds = array<i64: 256, 2048>}, {transform_indices = @transform_3, window_bounds = array<i64: 256, 2048>}, {pipeline_mode = #tpu.pipeline_mode<synchronous>, transform_indices = @transform_4, window_bounds = array<i64: 2048>}, {pipeline_mode = #tpu.pipeline_mode<synchronous>, transform_indices = @transform_5, window_bounds = array<i64: 2048>}, {pipeline_mode = #tpu.pipeline_mode<synchronous>, transform_indices = @transform_6, window_bounds = array<i64: 2048>}, {pipeline_mode = #tpu.pipeline_mode<synchronous>, transform_indices = @transform_7, window_bounds = array<i64: 2048>}, {transform_indices = @transform_8, window_bounds = array<i64: 256>}, {transform_indices = @transform_9, window_bounds = array<i64: 256>}]} {
    %mul3A = arith.constant 256 : i32
    %mul3A_0 = arith.muli %arg0, %mul3A : i32
    %get3A = arith.index_cast %mul3A_0 : i32 to index
    %get3A_1 = vector.load %arg1[%get3A] : memref<2048xf32, #tpu.memory_space<vmem>>, vector<256xf32>
    %get3A_2 = arith.index_cast %mul3A_0 : i32 to index
    %get3A_3 = vector.load %arg2[%get3A_2] : memref<2048xf32, #tpu.memory_space<vmem>>, vector<256xf32>
    %get3A_4 = arith.constant 0 : index
    %get3A_5 = vector.load %arg1[%get3A_4] : memref<2048xf32, #tpu.memory_space<vmem>>, vector<2048xf32>
    %broadcast_in_dim3A = vector.shape_cast %get3A_5 : vector<2048xf32> to vector<1x2048xf32>
    %broadcast_in_dim3A_6 = vector.shape_cast %get3A_1 : vector<256xf32> to vector<256x1xf32>
    %sub3A = vector.broadcast %broadcast_in_dim3A : vector<1x2048xf32> to vector<256x2048xf32>
    %sub3A_7 = vector.broadcast %broadcast_in_dim3A_6 : vector<256x1xf32> to vector<256x2048xf32>
    %sub3A_8 = arith.subf %sub3A, %sub3A_7 : vector<256x2048xf32>
    %get3A_9 = arith.constant 0 : index
    %get3A_10 = vector.load %arg2[%get3A_9] : memref<2048xf32, #tpu.memory_space<vmem>>, vector<2048xf32>
    %broadcast_in_dim3A_11 = vector.shape_cast %get3A_10 : vector<2048xf32> to vector<1x2048xf32>
    %broadcast_in_dim3A_12 = vector.shape_cast %get3A_3 : vector<256xf32> to vector<256x1xf32>
    %sub3A_13 = vector.broadcast %broadcast_in_dim3A_11 : vector<1x2048xf32> to vector<256x2048xf32>
    %sub3A_14 = vector.broadcast %broadcast_in_dim3A_12 : vector<256x1xf32> to vector<256x2048xf32>
    %sub3A_15 = arith.subf %sub3A_13, %sub3A_14 : vector<256x2048xf32>
    %get3A_16 = arith.constant 0 : index
    %get3A_17 = arith.constant 0 : index
    %get3A_18 = vector.load %arg3[%get3A_16, %get3A_17] : memref<256x2048xf32, #tpu.memory_space<vmem>>, vector<256x2048xf32>
    %get3A_19 = arith.constant 0 : index
    %get3A_20 = arith.constant 0 : index
    %get3A_21 = vector.load %arg4[%get3A_19, %get3A_20] : memref<256x2048xf32, #tpu.memory_space<vmem>>, vector<256x2048xf32>
    %mul3A_22 = arith.mulf %sub3A_8, %get3A_18 : vector<256x2048xf32>
    %mul3A_23 = arith.mulf %sub3A_15, %get3A_18 : vector<256x2048xf32>
    %mul3A_24 = arith.mulf %mul3A_22, %mul3A_22 : vector<256x2048xf32>
    %mul3A_25 = arith.mulf %mul3A_23, %mul3A_23 : vector<256x2048xf32>
    %add3A = arith.addf %mul3A_24, %mul3A_25 : vector<256x2048xf32>
    %mul3A_26 = arith.mulf %get3A_21, %get3A_21 : vector<256x2048xf32>
    %sub3A_27 = arith.subf %add3A, %mul3A_26 : vector<256x2048xf32>
    %mul3A_28 = arith.constant 4.000000e+00 : f32
    %mul3A_29 = vector.broadcast %mul3A_28 : f32 to vector<256x2048xf32>
    %mul3A_30 = arith.mulf %mul3A_29, %sub3A_8 : vector<256x2048xf32>
    %mul3A_31 = arith.mulf %mul3A_30, %sub3A_27 : vector<256x2048xf32>
    %reduce_sum3A = arith.constant dense<0.000000e+00> : vector<256xf32>
    %reduce_sum3A_32 = vector.multi_reduction <add>, %mul3A_31, %reduce_sum3A [1] : vector<256x2048xf32> to vector<256xf32>
    %mul3A_33 = arith.constant 4.000000e+00 : f32
    %mul3A_34 = vector.broadcast %mul3A_33 : f32 to vector<256x2048xf32>
    %mul3A_35 = arith.mulf %mul3A_34, %sub3A_15 : vector<256x2048xf32>
    %mul3A_36 = arith.mulf %mul3A_35, %sub3A_27 : vector<256x2048xf32>
    %reduce_sum3A_37 = arith.constant dense<0.000000e+00> : vector<256xf32>
    %reduce_sum3A_38 = vector.multi_reduction <add>, %mul3A_36, %reduce_sum3A_37 [1] : vector<256x2048xf32> to vector<256xf32>
    %get3A_39 = arith.index_cast %mul3A_0 : i32 to index
    %get3A_40 = vector.load %arg5[%get3A_39] : memref<2048xf32, #tpu.memory_space<vmem>>, vector<256xf32>
    %mul3A_41 = arith.mulf %get3A_40, %reduce_sum3A_32 : vector<256xf32>
    %mul3A_42 = arith.mulf %get3A_40, %reduce_sum3A_38 : vector<256xf32>
    %get3A_43 = arith.index_cast %mul3A_0 : i32 to index
    %get3A_44 = vector.load %arg8[%get3A_43] : memref<2048xf32, #tpu.memory_space<vmem>>, vector<256xf32>
    %ge3A = arith.constant 1.000000e+01 : f32
    %ge3A_45 = vector.broadcast %ge3A : f32 to vector<256xf32>
    %ge3A_46 = arith.cmpf oge, %get3A_44, %ge3A_45 : vector<256xf32>
    %convert_element_type3A = arith.extui %ge3A_46 : vector<256xi1> to vector<256xi32>
    %convert_element_type3A_47 = arith.sitofp %convert_element_type3A : vector<256xi32> to vector<256xf32>
    %mul3A_48 = arith.constant 3.000000e-03 : f32
    %mul3A_49 = vector.broadcast %mul3A_48 : f32 to vector<256xf32>
    %mul3A_50 = arith.mulf %mul3A_49, %convert_element_type3A_47 : vector<256xf32>
    %get3A_51 = arith.index_cast %mul3A_0 : i32 to index
    %get3A_52 = vector.load %arg6[%get3A_51] : memref<2048xf32, #tpu.memory_space<vmem>>, vector<256xf32>
    %jit3A = arith.constant -4.000000e+02 : f32
    %jit3A_53 = arith.constant 4.000000e+02 : f32
    %max3A = vector.broadcast %jit3A : f32 to vector<256xf32>
    %max3A_54 = arith.maximumf %max3A, %get3A_52 : vector<256xf32>
    %min3A = vector.broadcast %jit3A_53 : f32 to vector<256xf32>
    %min3A_55 = arith.minimumf %min3A, %max3A_54 : vector<256xf32>
    %mul3A_56 = arith.constant 2.500000e-07 : f32
    %mul3A_57 = vector.broadcast %mul3A_56 : f32 to vector<256xf32>
    %mul3A_58 = arith.mulf %mul3A_57, %mul3A_41 : vector<256xf32>
    %sub3A_59 = arith.subf %min3A_55, %mul3A_58 : vector<256xf32>
    %mul3A_60 = arith.mulf %mul3A_50, %sub3A_59 : vector<256xf32>
    %sub3A_61 = arith.subf %get3A_1, %mul3A_60 : vector<256xf32>
    %swap3A = arith.constant 0 : index
    %swap3A_62 = vector.load %arg9[%swap3A] : memref<256xf32, #tpu.memory_space<vmem>>, vector<256xf32>
    tpu.vector_store %arg9[%swap3A], %sub3A_61 {strides = array<i32>} : memref<256xf32, #tpu.memory_space<vmem>>, vector<256xf32>,
    %mul3A_63 = arith.constant 3.000000e-03 : f32
    %mul3A_64 = vector.broadcast %mul3A_63 : f32 to vector<256xf32>
    %mul3A_65 = arith.mulf %mul3A_64, %convert_element_type3A_47 : vector<256xf32>
    %get3A_66 = arith.index_cast %mul3A_0 : i32 to index
    %get3A_67 = vector.load %arg7[%get3A_66] : memref<2048xf32, #tpu.memory_space<vmem>>, vector<256xf32>
    %jit3A_68 = arith.constant -4.000000e+02 : f32
    %jit3A_69 = arith.constant 4.000000e+02 : f32
    %max3A_70 = vector.broadcast %jit3A_68 : f32 to vector<256xf32>
    %max3A_71 = arith.maximumf %max3A_70, %get3A_67 : vector<256xf32>
    %min3A_72 = vector.broadcast %jit3A_69 : f32 to vector<256xf32>
    %min3A_73 = arith.minimumf %min3A_72, %max3A_71 : vector<256xf32>
    %mul3A_74 = arith.constant 2.500000e-07 : f32
    %mul3A_75 = vector.broadcast %mul3A_74 : f32 to vector<256xf32>
    %mul3A_76 = arith.mulf %mul3A_75, %mul3A_42 : vector<256xf32>
    %sub3A_77 = arith.subf %min3A_73, %mul3A_76 : vector<256xf32>
    %mul3A_78 = arith.mulf %mul3A_65, %sub3A_77 : vector<256xf32>
    %sub3A_79 = arith.subf %get3A_3, %mul3A_78 : vector<256xf32>
    %swap3A_80 = arith.constant 0 : index
    %swap3A_81 = vector.load %arg10[%swap3A_80] : memref<256xf32, #tpu.memory_space<vmem>>, vector<256xf32>
    tpu.vector_store %arg10[%swap3A_80], %sub3A_79 {strides = array<i32>} : memref<256xf32, #tpu.memory_space<vmem>>, vector<256xf32>,
    return
  }
  func.func @transform_0(%arg0: i32) -> i32 {
    %c0_i32 = arith.constant 0 : i32
    %c0_i32_0 = arith.constant 0 : i32
    return %c0_i32 : i32
  }
  func.func @transform_1(%arg0: i32) -> i32 {
    %c0_i32 = arith.constant 0 : i32
    %c0_i32_0 = arith.constant 0 : i32
    return %c0_i32 : i32
  }
  func.func @transform_2(%arg0: i32) -> (i32, i32) {
    %c0_i32 = arith.constant 0 : i32
    %c0_i32_0 = arith.constant 0 : i32
    return %arg0, %c0_i32 : i32, i32
  }
  func.func @transform_3(%arg0: i32) -> (i32, i32) {
    %c0_i32 = arith.constant 0 : i32
    %c0_i32_0 = arith.constant 0 : i32
    return %arg0, %c0_i32 : i32, i32
  }
  func.func @transform_4(%arg0: i32) -> i32 {
    %c0_i32 = arith.constant 0 : i32
    %c0_i32_0 = arith.constant 0 : i32
    return %c0_i32 : i32
  }
  func.func @transform_5(%arg0: i32) -> i32 {
    %c0_i32 = arith.constant 0 : i32
    %c0_i32_0 = arith.constant 0 : i32
    return %c0_i32 : i32
  }
  func.func @transform_6(%arg0: i32) -> i32 {
    %c0_i32 = arith.constant 0 : i32
    %c0_i32_0 = arith.constant 0 : i32
    return %c0_i32 : i32
  }
  func.func @transform_7(%arg0: i32) -> i32 {
    %c0_i32 = arith.constant 0 : i32
    %c0_i32_0 = arith.constant 0 : i32
    return %c0_i32 : i32
  }
  func.func @transform_8(%arg0: i32) -> i32 {
    %c0_i32 = arith.constant 0 : i32
    return %arg0 : i32
  }
  func.func @transform_9(%arg0: i32) -> i32 {
    %c0_i32 = arith.constant 0 : i32
    return %arg0 : i32
  }
}

</mosaic_0001>

<sc_bundles>
// kernel: kernel.4.cloned.1.call-start
scs
__scs_entry_jumppad:
0x0: {  	(pc) =	sbr.rel $0x88, $3  }
0x1: {  	(tag) =	ssettag $0x0;
	lr =	simm.s32 $0x1  }
0x2: {  	[smem:$0x3F9A] =	sst lr;
	_ =	strace $0xD0000000  }
0x3: {  	_ = 	snop  }
0x4: {  	_ = 	snop  }
0x5: {  	_ = 	snop  }
0x6: {  	_ = 	snop  }
0x7: {  	_ = 	snop  }
__scs_overlays_trampoline_lowered:
0x8: {  	[smem:$0x3FA9] =	sst s0  }
0x9: {  	[smem:$0x3FAA] =	sst s1  }
0xa: {  	[smem:$0x3FAB] =	sst s2  }
0xb: {  	[smem:$0x3FAC] =	sst s3  }
0xc: {  	[smem:$0x3FAD] =	sst s4  }
0xd: {  	[smem:$0x3FAE] =	sst s5  }
0xe: {  	[smem:$0x3FAF] =	sst s6  }
0xf: {  	[smem:$0x3FB0] =	sst s7  }
0x10: {  	[smem:$0x3FB1] =	sst s8  }
0x11: {  	[smem:$0x3FB2] =	sst s9;
	s0 =	simm.s32 @!p0 $0x0  }
0x12: {  	s1 =	sld [smem:$0x3F98];
	s0 =	simm.s32 @p0 $0x1  }
0x13: {  	[smem:$0x3FB3] =	sst s0;
	s0 =	simm.s32 @!p1 $0x0  }
0x14: {  	s2 =	sld [smem:$0x3F97];
	s0 =	simm.s32 @p1 $0x1  }
0x15: {  	[smem:$0x3FB4] =	sst s0;
	s0 =	simm.s32 @!p2 $0x0  }
0x16: {  	s3 =	sld [smem:$0x3FDB];
	s0 =	simm.s32 @p2 $0x1  }
0x17: {  	s4 =	simm.s32 $0x1BF5;
	[smem:$0x3FB6] =	sst s0  }
0x18: {  	s0 =	sld [smem:$0x3F99];
	_ =	swait.ge [sflag:s4], $0x0  }
0x19: {  	s7 =	sld [smem:$0x3F9A]  }
0x1a: {  	s8 =	sadd.s32 $0xFFFFE003, lr  }
0x1b: {  	s9 =	sadd.s32 $0xFFFFFEF7, lr;
	s5 =	simm.s32 $0xFFFFFFFF;
	p2 =	slt.u32 s8, $0xFFFFF086  }
0x1c: {  	p1 =	slt.u32 s9, $0xF7A;
	s5 =	simm.s32 @!p2 $0x0  }
0x1d: {  	s5 =	simm.s32 @p1 $0x1;
	p0 =	seq.s32 s7, s2  }
0x1e: {  	s7 =	smul.u32 @!p0 $0xF7A, s2;
	p2 =	seq.s32 @!p0 s5, $0x0  }
0x1f: {  	s9 =	smul.u32 $0xF7A, s1;
	s8 =	simm.s32 @!p0 $0x1BF5;
	p2 =	por !p2, p0  }
0x20: {  	[sflag:s8] =	ssyncset.s32 @!p0 $0xFFFFF086;
	s6 =	sadd.s32 @!p0 s3, s7;
	s7 =	simm.s32 @!p0 $0x108  }
0x21: {  	s3 =	sadd.s32 s3, s9;
	s6 =	sadd.s32 @!p0 $0x88, s6;
	s7 =	simm.s32 @p2 $0x1082  }
0x22: {  	[simem:s7], [sflag:s8] =	dma.local @!p0 [hbm:s6], $0xF7A  }
0x23: {  	s9 =	sor.u32 $0xD0000000, s2;
	s6 =	simm.s32 $0x108;
	_ =	swait.ge @!p0 [sflag:s8], $0x0  }
0x24: {  	s3 =	sadd.s32 $0x88, s3;
	s6 =	simm.s32 @!p1 $0x1082;
	[sflag:s4] =	ssyncset.s32 $0xFFFFF086  }
0x25: {  	[simem:s6], [sflag:s4] =	dma.local [hbm:s3], $0xF7A  }
0x26: {  	[smem:$0x3F9A] =	sst s1;
	(tag) =	ssettag s2;
	_ =	strace s9  }
0x27: {  	s1 =	sld [smem:$0x3FAA]  }
0x28: {  	s2 =	sld [smem:$0x3FAB]  }
0x29: {  	s4 =	sld [smem:$0x3FAD]  }
0x2a: {  	p0 =	seq.s32 s5, $0x0;
	s5 =	sld [smem:$0x3FAE]  }
0x2b: {  	s6 =	sld [smem:$0x3FAF]  }
0x2c: {  	s7 =	sld [smem:$0x3FB0]  }
0x2d: {  	s3 =	simm.s32 $0x108;
	s8 =	sld [smem:$0x3FB1]  }
0x2e: {  	s3 =	simm.s32 @!p0 $0x1082;
	s9 =	sld [smem:$0x3FB2]  }
0x2f: {  	lr =	sadd.s32 s0, s3;
	s0 =	sld [smem:$0x3FA9]  }
0x30: {  	s3 =	sld [smem:$0x3FAC]  }
0x31: {  	[smem:$0x3FB5] =	sst s10  }
0x32: {  	s10 =	sld [smem:$0x3FB3];
	_ =	sdelay $0x3  }
0x33: {  	p0 =	seq.s32 s10, $0x1;
	s10 =	sld [smem:$0x3FB5];
	_ =	sdelay $0x3  }
0x34: {  	[smem:$0x3FB5] =	sst s10  }
0x35: {  	s10 =	sld [smem:$0x3FB4];
	_ =	sdelay $0x3  }
0x36: {  	p1 =	seq.s32 s10, $0x1;
	s10 =	sld [smem:$0x3FB5];
	_ =	sdelay $0x3  }
0x37: {  	[smem:$0x3FB5] =	sst s10  }
0x38: {  	s10 =	sld [smem:$0x3FB6]  }
0x39: {  	_ = 	snop;
	(pc) =	sbr.ind lr, $3  }
0x3a: {  	_ = 	snop  }
0x3b: {  	_ = 	snop  }
0x3c: {  	p2 =	seq.s32 s10, $0x1;
	s10 =	sld [smem:$0x3FB5]  }
0x3d: {  	_ =	shalt  }
0x3e: {  	_ =	shalt  }
0x3f: {  	_ =	shalt  }
0x40: {  	_ =	shalt  }
0x41: {  	_ =	shalt  }
0x42: {  	_ =	shalt  }
0x43: {  	_ =	shalt  }
0x44: {  	_ =	shalt  }
0x45: {  	_ =	shalt  }
0x46: {  	_ =	shalt  }
0x47: {  	_ =	shalt  }
0x48: {  	_ =	shalt  }
0x49: {  	_ =	shalt  }
0x4a: {  	_ =	shalt  }
0x4b: {  	_ =	shalt  }
0x4c: {  	_ =	shalt  }
0x4d: {  	_ =	shalt  }
0x4e: {  	_ =	shalt  }
0x4f: {  	_ =	shalt  }
0x50: {  	_ =	shalt  }
0x51: {  	_ =	shalt  }
0x52: {  	_ =	shalt  }
0x53: {  	_ =	shalt  }
0x54: {  	_ =	shalt  }
0x55: {  	_ =	shalt  }
0x56: {  	_ =	shalt  }
0x57: {  	_ =	shalt  }
0x58: {  	_ =	shalt  }
0x59: {  	_ =	shalt  }
0x5a: {  	_ =	shalt  }
0x5b: {  	_ =	shalt  }
0x5c: {  	_ =	shalt  }
0x5d: {  	_ =	shalt  }
0x5e: {  	_ =	shalt  }
0x5f: {  	_ =	shalt  }
0x60: {  	_ =	shalt  }
0x61: {  	_ =	shalt  }
0x62: {  	_ =	shalt  }
0x63: {  	_ =	shalt  }
0x64: {  	_ =	shalt  }
0x65: {  	_ =	shalt  }
0x66: {  	_ =	shalt  }
0x67: {  	_ =	shalt  }
0x68: {  	_ =	shalt  }
0x69: {  	_ =	shalt  }
0x6a: {  	_ =	shalt  }
0x6b: {  	_ =	shalt  }
0x6c: {  	_ =	shalt  }
0x6d: {  	_ =	shalt  }
0x6e: {  	_ =	shalt  }
0x6f: {  	_ =	shalt  }
0x70: {  	_ =	shalt  }
0x71: {  	_ =	shalt  }
0x72: {  	_ =	shalt  }
0x73: {  	_ =	shalt  }
0x74: {  	_ =	shalt  }
0x75: {  	_ =	shalt  }
0x76: {  	_ =	shalt  }
0x77: {  	_ =	shalt  }
0x78: {  	_ =	shalt  }
0x79: {  	_ =	shalt  }
0x7a: {  	_ =	shalt  }
0x7b: {  	_ =	shalt  }
0x7c: {  	_ =	shalt  }
0x7d: {  	_ =	shalt  }
0x7e: {  	_ =	shalt  }
0x7f: {  	_ =	shalt  }
0x80: {  	_ =	shalt  }
0x81: {  	_ =	shalt  }
0x82: {  	_ =	shalt  }
0x83: {  	_ =	shalt  }
0x84: {  	_ =	shalt  }
0x85: {  	_ =	shalt  }
0x86: {  	_ =	shalt  }
0x87: {  	_ =	shalt  }
.Lfunc_end0:
.L_simem_size_0:
called_computation_lowered:
.L_overlay_start_0:
0x88: {  	s2 =	sld [smem:$0x3FD9]  }
0x89: {  	s3 =	sld [smem:$0x3FFE];
	_ =	sdelay $0x1  }
0x8a: {  	s1 =	srdreg.scid  }
0x8b: {  	s0 =	sand.u32 $0x1, s1  }
0x8c: {  	s17 =	sshll.u32 s0, $0xA;
	s2 =	sadd.s32 s3, s2  }
0x8d: {  	s2 =	sadd.s32 s2, s17  }
0x8e: {  	[smem:$0x3FC1] =	sst s2  }
0x8f: {  	_ = 	snop  }
0x90: {  	s2 =	sld [smem:$0x3FD0];
	(tm) =	ssettm $0x1  }
0x91: {  	s18 =	sld [smem:$0x3FFB];
	_ =	sdelay $0x3  }
0x92: {  	_ =	strace s18  }
0x93: {  	s3 =	sld [smem:$0x3FFC];
	_ =	sdelay $0x3  }
0x94: {  	_ =	strace s3  }
0x95: {  	s3 =	sld [smem:$0x3FFD];
	_ =	sdelay $0x3  }
0x96: {  	_ =	strace s3  }
0x97: {  	_ =	strace $0x8FFFFFFF  }
0x98: {  	s19 =	sld [smem:$0x3FDB];
	_ =	sdelay $0x1  }
0x99: {  	s4 =	simm.s32 $_scs_section_size  }
0x9a: {  	s5 =	simm.s32 $_size__tile_overlayer_lowered;
	s6 =	simm.s32 $_tile_overlayer_lowered  }
0x9b: {  	s22 =	simm.s32 $0x1BFF;
	s21 =	sshll.u32 s6, $0x1;
	s3 =	sadd.s32 s4, s19  }
0x9c: {  	s7 =	simm.s32 $0x0;
	s20 =	sshll.u32 s5, $0x1;
	s5 =	sadd.s32 s21, s3  }
0x9d: {  	[timem:s7], [sflag:s22] =	dma.local [hbm:s5], s20  }
0x9e: {  	_ =	swait.ge [sflag:s22], s20  }
0x9f: {  	s4 =	ssub.s32 $0x0, s20;
	[sflag:s22] =	ssyncset.done $0x0  }
0xa0: {  	[sflag:s22] =	ssyncadd.s32 s4;
	_ =	sdelay $0x1  }
0xa1: {  	s23 =	simm.s32 $0x1B8B  }
0xa2: {  	_ =	swait.ge [sflag:s23], $0x1  }
0xa3: {  	[sflag:s23] =	ssyncset.done $0x0  }
0xa4: {  	s25 =	simm.s32 $0x1B8E;
	s24 =	sld [smem:$0x3FFE];
	[sflag:s23] =	ssyncadd.s32 $0xFFFFFFFF  }
0xa5: {  	s26 =	simm.s32 $execute0_lowered;
	[smem:$0x3FD2] =	sst s25  }
0xa6: {  	s5 =	sshll.u32 s26, $0x1;
	_ =	strace $0x80000046;
	[dreg:$0x1] =	wrdreg $0xFFFFFFFF  }
0xa7: {  	s28 =	simm.s32 $_size_execute0_lowered;
	s3 =	sadd.s32 s3, s5;
	[dreg:$0x0] =	wrdreg $0x0  }
0xa8: {  	s5 =	sshll.u32 s28, $0x1;
	[dreg:$0x2] =	wrdreg s3  }
0xa9: {  	[dreg:$0x3] =	wrdreg s5  }
0xaa: {  	[dreg:$0x4] =	wrdreg $0xC0  }
0xab: {  	_ =	task [dreg:s7], $0x5FFFF  }
0xac: {  	[dreg:$0x1] =	wrdreg $0xFFFFFFFF  }
0xad: {  	[dreg:$0x0] =	wrdreg $0x60  }
0xae: {  	[dreg:$0x2] =	wrdreg s2  }
0xaf: {  	[dreg:$0x3] =	wrdreg s24  }
0xb0: {  	[dreg:$0x4] =	wrdreg $0x9  }
0xb1: {  	_ =	task.clear_ibuf [dreg:s7], $0x5FFFF;
	_ =	strace $0x90000046  }
0xb2: {  	s29 =	simm.s32 $0x9;
	_ =	strace $0x80000048  }
0xb3: {  	_ =	swait.ge [sflag:s29], $0x1  }
0xb4: {  	[sflag:s29] =	ssyncadd.s32 $0xFFFFFFFF  }
0xb5: {  	_ =	strace $0x90000048  }
0xb6: {  	_ =	sfence  }
0xb7: {  	s30 =	sld [smem:$0x0];
	_ =	sdelay $0x2  }
0xb8: {  	s31 =	sshll.u32 s1, $0xD;
	s1 =	sshrl.u32 s1, $0x2  }
0xb9: {  	s3 =	sand.u32 $0x4000, s31;
	s1 =	sadd.s32 s1, s30  }
0xba: {  	s0 =	sor.u32 s3, s0;
	s1 =	sshll.u32 s1, $0x11  }
0xbb: {  	s0 =	sor.u32 s1, s0  }
0xbc: {  	s0 =	sadd.s32 $0x8F2B, s0  }
0xbd: {  	[sflag:s0] =	ssyncadd.remote.s32 $0x1  }
0xbe: {  	_ =	sfence.sel $0xFFFF  }
0xbf: {  	[dreg:$0x0] =	wrdreg $0xFFFFFFFF;
	(pc) =	sbr.abs _section_cstart, $3  }
0xc0: {  	[dreg:$0x1] =	wrdreg $0xFFFFFFFF  }
0xc1: {  	_ =	task.clear_ibuf [dreg:s7], $0x2FFFF;
	_ =	strace $0x9FFFFFFF  }
0xc2: {  	(tm) =	ssettm $0x7FFFFFFF  }
0xc3: {  	_ =	shalt  }
tec
execute0_lowered:
.L_overlay_start_1:
0x0: {  	(tag) =	ssettag $0x1  }
0x1: {  	s1 =	rddreg [dreg:$0x0]  }
0x2: {  	s7 =	rddreg [dreg:$0x1]  }
0x3: {  	s0 =	rddreg [dreg:$0x2]  }
0x4: {  	s3 =	simm.s32 $0x0;
	s4 =	srdreg.scid;
	s2 =	stileid.u32  }
0x5: {  	s13 =	simm.s32 $0x1;
	s14 =	simm.s32 $0x1000;
	s15 =	simm.s32 $0x2000  }
0x6: {  	s16 =	simm.s32 $0x47E0;
	s17 =	simm.s32 $0x97A0;
	s18 =	simm.s32 $0x97E0  }
0x7: {  	s19 =	simm.s32 $0x6FC0;
	s20 =	simm.s32 $0x9820;
	s21 =	simm.s32 $0x9860  }
0x8: {  	s22 =	simm.s32 $0x98A0;
	s23 =	simm.s32 $0x0;
	[smem:$0x7FF] =	sst s3  }
0x9: {  	s6 =	sand.u32 $0x1, s4;
	s4 =	sadd.s32 $0x2C00, s7;
	s8 =	sshll.u32 s2, $0x4  }
0xa: {  	s5 =	sadd.s32 $0x2600, s7;
	s9 =	sshll.u32 s6, $0x3;
	s30 =	ssub.s32 $0x2, s6  }
0xb: {  	_ =	strace $0x80000047;
	s8 =	sor.u32 s9, s8;
	s31 =	sshrl.u32 s30, $0x1  }
0xc: {  	s6 =	sadd.s32 $0x2000, s7;
	s11 =	sadd.s32 s8, s7;
	s12 =	ssub.s32 s30, s31  }
0xd: {  	s7 =	sadd.s32 $0x1E00, s11;
	s8 =	sadd.s32 $0x1C00, s11;
	s9 =	sadd.s32 $0x2E00, s11  }
0xe: {  	v0 =	vimm.f32 $0.0e+00;
	s10 =	sadd.s32 $0x3000, s11;
	s11 =	sadd.s32 $0x3200, s11;
	s12 =	smax.u32 s12, $0x1  }
.LBB2_1:
0xf: {  	[tilespmem:s3], [sflag:$0x1] =	stream.linear.gather [hbm4b:s1+s3], $0x1000, $0x38;
	[tilespmem:$0x98E0] =	vst v63  }
0x10: {  	_ =	swait.ge [sflag:s13], $0x1000  }
0x11: {  	[sflag:s13] =	ssyncset.done $0x0  }
0x12: {  	[sflag:s13] =	ssyncadd.s32 $0xFFFFF000  }
0x13: {  	[tilespmem:s14], [sflag:$0x1] =	stream.linear.gather [hbm4b:s4+s3], $0x1000, $0x38;
	[tilespmem:$0x98E0] =	vst v63  }
0x14: {  	_ =	swait.ge [sflag:s13], $0x1000  }
0x15: {  	[sflag:s13] =	ssyncset.done $0x0  }
0x16: {  	[sflag:s13] =	ssyncadd.s32 $0xFFFFF000  }
0x17: {  	[tilespmem:s15], [sflag:$0x1] =	stream.linear.gather [hbm4b:s5+s3], $0x27E0, $0x38;
	[tilespmem:$0x98E0] =	vst v63  }
0x18: {  	_ =	swait.ge [sflag:s13], $0x27E0  }
0x19: {  	[sflag:s13] =	ssyncset.done $0x0  }
0x1a: {  	[sflag:s13] =	ssyncadd.s32 $0xFFFFD820  }
0x1b: {  	[tilespmem:s16], [sflag:$0x1] =	stream.linear.gather [hbm4b:s6+s3], $0x27E0, $0x38;
	[tilespmem:$0x98E0] =	vst v63  }
0x1c: {  	_ =	swait.ge [sflag:s13], $0x27E0  }
0x1d: {  	[sflag:s13] =	ssyncset.done $0x0  }
0x1e: {  	[sflag:s13] =	ssyncadd.s32 $0xFFFFD820  }
0x1f: {  	[tilespmem:s17], [sflag:$0x1] =	stream.linear.gather [hbm4b:s7+s3], $0x40, $0x38;
	[tilespmem:$0x98E0] =	vst v63  }
0x20: {  	_ =	swait.ge [sflag:s13], $0x40  }
0x21: {  	[sflag:s13] =	ssyncset.done $0x0  }
0x22: {  	[sflag:s13] =	ssyncadd.s32 $0xFFFFFFC0  }
0x23: {  	[tilespmem:s18], [sflag:$0x1] =	stream.linear.gather [hbm4b:s8+s3], $0x40, $0x38;
	[tilespmem:$0x98E0] =	vst v63  }
0x24: {  	_ =	swait.ge [sflag:s13], $0x40  }
0x25: {  	[sflag:s13] =	ssyncset.done $0x0  }
0x26: {  	s24 =	simm.s32 $0x2010;
	[sflag:s13] =	ssyncadd.s32 $0xFFFFFFC0  }
0x27: {  	s25 =	simm.s32 $0x47F0;
	v1 =	vld [tilespmem:s24+$0xFFFFFFF0]  }
0x28: {  	v2 =	vld [tilespmem:s25+$0xFFFFFFF0];
	_ =	sdelay $0x3  }
0x29: {  	vm0 =	vlt.f32 v1, $0.0e+00  }
0x2a: {  	vm1 =	vgt.f32 v1, $0.0e+00;
	vm2 =	vlt.f32 v2, $0.0e+00;
	vm3 =	vgt.f32 v2, $0.0e+00  }
0x2b: {  	vm0 =	vmor vm1, vm0;
	vm10 =	vmor vm3, vm2  }
0x2c: {  	v1 =	vsel vm0, $0x3F800000, v0;
	v2 =	vsel vm10, $0x3F800000, v0  }
0x2d: {  	v1 =	vadd.f32 v2, v1  }
0x2e: {  	s26 =	simm.s32 $0x6FD0  }
0x2f: {  	[tilespmem:s26+$0xFFFFFFF0] =	vst v1  }
0x30: {  	v1 =	vld [tilespmem:s25+$0x0]  }
0x31: {  	v2 =	vld [tilespmem:s24+$0x0];
	_ =	sdelay $0x3  }
0x32: {  	vm11 =	vlt.f32 v1, $0.0e+00  }
0x33: {  	vm12 =	vgt.f32 v1, $0.0e+00;
	vm13 =	vlt.f32 v2, $0.0e+00;
	vm14 =	vgt.f32 v2, $0.0e+00  }
0x34: {  	vm0 =	vmor vm12, vm11;
	vm15 =	vmor vm14, vm13  }
0x35: {  	v1 =	vsel vm0, $0x3F800000, v0;
	v2 =	vsel vm15, $0x3F800000, v0  }
0x36: {  	s28 =	simm.s32 $0x0;
	s29 =	simm.s32 $0x6FF0;
	v1 =	vadd.f32 v1, v2  }
.LBB2_2:
0x37: {  	s28 =	sadd.s32 $0x2, s28;
	s24 =	sadd.s32 $0x20, s24;
	s25 =	sadd.s32 $0x20, s25  }
0x38: {  	p0 =	slt.u32 s28, $0x27C;
	[tilespmem:s26+$0x0] =	vst v1;
	s26 =	smov.u32 s29  }
0x39: {  	v1 =	vld [tilespmem:s24+$0xFFFFFFF0]  }
0x3a: {  	v2 =	vld [tilespmem:s25+$0xFFFFFFF0];
	_ =	sdelay $0x3  }
0x3b: {  	vm0 =	vlt.f32 v1, $0.0e+00;
	vm1 =	vgt.f32 v1, $0.0e+00  }
0x3c: {  	vm0 =	vmor vm1, vm0;
	vm1 =	vlt.f32 v2, $0.0e+00;
	vm2 =	vgt.f32 v2, $0.0e+00  }
0x3d: {  	vm1 =	vmor vm2, vm1  }
0x3e: {  	v1 =	vsel vm0, $0x3F800000, v0;
	v2 =	vsel vm1, $0x3F800000, v0  }
0x3f: {  	v1 =	vadd.f32 v2, v1;
	_ =	sdelay $0x1  }
0x40: {  	[tilespmem:s29+$0xFFFFFFF0] =	vst v1  }
0x41: {  	v1 =	vld [tilespmem:s25+$0x0]  }
0x42: {  	v2 =	vld [tilespmem:s24+$0x0];
	_ =	sdelay $0x3  }
.Ltmp0:
0x43: {  	vm0 =	vlt.f32 v1, $0.0e+00;
	vm1 =	vgt.f32 v1, $0.0e+00;
	(pc) =	sbr.rel @p0 .LBB2_2-.Ltmp0, $4  }
0x44: {  	vm2 =	vlt.f32 v2, $0.0e+00;
	vm3 =	vgt.f32 v2, $0.0e+00;
	vm0 =	vmor vm1, vm0  }
0x45: {  	vm1 =	vmor vm3, vm2;
	v1 =	vsel vm0, $0x3F800000, v0  }
0x46: {  	v2 =	vsel vm1, $0x3F800000, v0  }
0x47: {  	s29 =	sadd.s32 $0x20, s29;
	v1 =	vadd.f32 v1, v2  }
0x48: {  	s24 =	simm.s32 $0x1  }
0x49: {  	v2 =	vmov s24  }
0x4a: {  	s25 =	simm.s32 $0x3;
	v2 =	vand.u32 $0xFFFFFFFD, v2  }
0x4b: {  	[tilespmem:s26+$0x0] =	vst v1;
	v6 =	vmov s25;
	s26 =	simm.s32 $0x0;
	v3 =	vbroadcast v2, $0x0  }
0x4c: {  	s31 =	simm.s32 $0x2;
	v8 =	vmov s26  }
0x4d: {  	v2 =	vmov s31;
	v8 =	vand.u32 $0xFFFFFFFC, v8  }
0x4e: {  	v1 =	vand.u32 $0xFFFFFFFE, v2;
	v2 =	vld [tilespmem:$0x97A0];
	v8 =	vbroadcast v8, $0x0  }
0x4f: {  	v4 =	vbroadcast v1, $0x0;
	v1 =	vld [tilespmem:$0x97E0]  }
0x50: {  	v9 =	vld.idx.msk [tilespmem:v6+s3+$0x0], $0xffff  }
0x51: {  	v5 =	vld.idx.msk [tilespmem:v3+s3+$0x0], $0xffff  }
0x52: {  	v6 =	vld.idx.msk [tilespmem:v6+s14+$0x0], $0xffff  }
0x53: {  	v3 =	vld.idx.msk [tilespmem:v3+s14+$0x0], $0xffff  }
0x54: {  	v11 =	vld.idx.msk [tilespmem:v8+s3+$0x0], $0xffff  }
0x55: {  	v7 =	vld.idx.msk [tilespmem:v4+s3+$0x0], $0xffff  }
0x56: {  	s28 =	simm.s32 $0x5;
	s30 =	simm.s32 $0x7;
	v8 =	vld.idx.msk [tilespmem:v8+s14+$0x0], $0xffff;
	v5 =	vsub.f32 v5, v2  }
0x57: {  	v12 =	vmov s28;
	v14 =	vmov s30;
	v9 =	vsub.f32 v9, v2  }
0x58: {  	v12 =	vand.u32 $0xFFFFFFFD, v12;
	v4 =	vld.idx.msk [tilespmem:v4+s14+$0x0], $0xffff;
	v6 =	vsub.f32 v6, v1;
	v5 =	vtrunc.f32 v5  }
0x59: {  	v9 =	vtrunc.f32 v9;
	v10 =	vsub.f32 v3, v1;
	v5 =	vcvt.f32.s32 v5  }
0x5a: {  	v6 =	vtrunc.f32 v6;
	v9 =	vcvt.f32.s32 v9;
	v7 =	vsub.f32 v7, v2  }
0x5b: {  	v8 =	vsub.f32 v8, v1;
	v10 =	vtrunc.f32 v10;
	vm0 =	vgt.s32 v5, $0xFFFFFFCE  }
0x5c: {  	v10 =	vcvt.f32.s32 v10;
	v7 =	vtrunc.f32 v7;
	v5 =	vnsel vm0, $0xFFFFFFCE, v5  }
0x5d: {  	v4 =	vsub.f32 v4, v1;
	v7 =	vcvt.f32.s32 v7;
	vm0 =	vlt.s32 v5, $0x32  }
0x5e: {  	v8 =	vtrunc.f32 v8;
	v5 =	vnsel vm0, $0x32, v5;
	vm0 =	vgt.s32 v10, $0xFFFFFFCE  }
0x5f: {  	v4 =	vtrunc.f32 v4;
	vm1 =	vgt.s32 v7, $0xFFFFFFCE;
	v10 =	vnsel vm0, $0xFFFFFFCE, v10  }
0x60: {  	v7 =	vnsel vm1, $0xFFFFFFCE, v7;
	v5 =	vmul.u32 $0x65, v5;
	vm0 =	vlt.s32 v10, $0x32  }
0x61: {  	v8 =	vcvt.f32.s32 v8;
	vm1 =	vlt.s32 v7, $0x32;
	v10 =	vnsel vm0, $0x32, v10  }
0x62: {  	s29 =	simm.s32 $0x6;
	v4 =	vcvt.f32.s32 v4;
	v7 =	vnsel vm1, $0x32, v7;
	v5 =	vadd.s32 v5, v10  }
0x63: {  	v10 =	vsub.f32 v11, v2;
	v11 =	vbroadcast v12, $0x0;
	v12 =	vmov s29  }
0x64: {  	vm0 =	vgt.s32 v4, $0xFFFFFFCE;
	v7 =	vmul.u32 $0x65, v7;
	v12 =	vand.u32 $0xFFFFFFFE, v12  }
0x65: {  	v4 =	vnsel vm0, $0xFFFFFFCE, v4;
	v10 =	vtrunc.f32 v10;
	v12 =	vbroadcast v12, $0x0  }
0x66: {  	vm0 =	vlt.s32 v4, $0x32;
	v15 =	vadd.s32 $0x13EC, v5;
	v10 =	vcvt.f32.s32 v10  }
0x67: {  	v5 =	vcvt.f32.s32 v6;
	v4 =	vnsel vm0, $0x32, v4;
	vm0 =	vgt.s32 v8, $0xFFFFFFCE  }
0x68: {  	v4 =	vadd.s32 v7, v4;
	v8 =	vnsel vm0, $0xFFFFFFCE, v8;
	vm1 =	vgt.s32 v10, $0xFFFFFFCE  }
0x69: {  	v4 =	vadd.s32 $0x13EC, v4;
	vm0 =	vlt.s32 v8, $0x32;
	v13 =	vld.idx.msk [tilespmem:v11+s3+$0x0], $0xffff;
	v10 =	vnsel vm1, $0xFFFFFFCE, v10  }
0x6a: {  	v8 =	vnsel vm0, $0x32, v8;
	vm0 =	vgt.s32 v9, $0xFFFFFFCE;
	v7 =	vld.idx.msk [tilespmem:v11+s14+$0x0], $0xffff;
	vm1 =	vlt.s32 v10, $0x32  }
0x6b: {  	v9 =	vnsel vm0, $0xFFFFFFCE, v9;
	vm0 =	vgt.s32 v5, $0xFFFFFFCE;
	v10 =	vnsel vm1, $0x32, v10;
	v6 =	vld.idx.msk [tilespmem:v12+s3+$0x0], $0xffff  }
0x6c: {  	v16 =	vnsel vm0, $0xFFFFFFCE, v5;
	v11 =	vld.idx.msk [tilespmem:v12+s14+$0x0], $0xffff;
	vm1 =	vlt.s32 v9, $0x32;
	v10 =	vmul.u32 $0x65, v10  }
0x6d: {  	v3 =	vimm.f32 $0.0e+00;
	v12 =	vld.idx.msk [tilespmem:v14+s3+$0x0], $0xffff;
	vm0 =	vlt.s32 v16, $0x32;
	v9 =	vnsel vm1, $0x32, v9  }
0x6e: {  	s31 =	simm.s32 $0x4;
	v16 =	vnsel vm0, $0x32, v16;
	v8 =	vadd.s32 v10, v8;
	v10 =	vsub.f32 v13, v2  }
0x6f: {  	v9 =	vmul.u32 $0x65, v9;
	v7 =	vsub.f32 v7, v1;
	v13 =	vmov s31  }
0x70: {  	v8 =	vadd.s32 $0x13EC, v8;
	v5 =	vand.u32 $0xFFFFFFFC, v13;
	v10 =	vtrunc.f32 v10  }
0x71: {  	v17 =	vbroadcast v5, $0x0;
	v5 =	vld.idx.msk [tilespmem:v4+s16+$0x0], $0xffff;
	v13 =	vsub.f32 v6, v2;
	v10 =	vcvt.f32.s32 v10  }
0x72: {  	v6 =	vld.idx.msk [tilespmem:v15+s15+$0x0], $0xffff;
	v18 =	vtrunc.f32 v7;
	v11 =	vsub.f32 v11, v1;
	v12 =	vsub.f32 v12, v2  }
0x73: {  	v7 =	vld.idx.msk [tilespmem:v15+s19+$0x0], $0xffff;
	v19 =	vcvt.f32.s32 v18;
	v13 =	vtrunc.f32 v13;
	vm1 =	vgt.s32 v10, $0xFFFFFFCE  }
0x74: {  	v18 =	vld.idx.msk [tilespmem:v14+s14+$0x0], $0xffff;
	v11 =	vtrunc.f32 v11;
	v21 =	vcvt.f32.s32 v13;
	v10 =	vnsel vm1, $0xFFFFFFCE, v10  }
0x75: {  	v12 =	vtrunc.f32 v12;
	v20 =	vcvt.f32.s32 v11;
	v22 =	vld.idx.msk [tilespmem:v8+s19+$0x0], $0xffff;
	vm1 =	vlt.s32 v10, $0x32  }
0x76: {  	vm0 =	vgt.s32 v21, $0xFFFFFFCE;
	v13 =	vnsel vm1, $0x32, v10;
	v10 =	vld.idx.msk [tilespmem:v8+s15+$0x0], $0xffff;
	vm1 =	vgt.s32 v19, $0xFFFFFFCE  }
0x77: {  	v23 =	vmul.u32 $0x65, v13;
	v13 =	vld.idx.msk [tilespmem:v8+s16+$0x0], $0xffff;
	v8 =	vadd.s32 v9, v16;
	v14 =	vnsel vm1, $0xFFFFFFCE, v19  }
0x78: {  	v15 =	vld.idx.msk [tilespmem:v15+s16+$0x0], $0xffff;
	v9 =	vnsel vm0, $0xFFFFFFCE, v21;
	v11 =	vadd.s32 $0x13EC, v8;
	vm0 =	vlt.s32 v14, $0x32  }
0x79: {  	v19 =	vld.idx.msk [tilespmem:v17+s3+$0x0], $0xffff;
	vm1 =	vlt.s32 v9, $0x32;
	v8 =	vcvt.f32.s32 v12;
	v12 =	vnsel vm0, $0x32, v14  }
0x7a: {  	v21 =	vld.idx.msk [tilespmem:v17+s14+$0x0], $0xffff;
	v9 =	vnsel vm1, $0x32, v9;
	v16 =	vadd.f32 v22, v3;
	vm0 =	vgt.s32 v20, $0xFFFFFFCE  }
0x7b: {  	s24 =	simm.s32 $0x8;
	v14 =	vld.idx.msk [tilespmem:v4+s19+$0x0], $0xffff;
	v12 =	vadd.s32 v23, v12;
	v17 =	vmul.u32 $0x65, v9;
	v9 =	vimm.f32 $0.0e+00  }
.LBB2_4:
0x7c: {  	s26 =	sadd.s32 $0x1, s24  }
0x7d: {  	p0 =	slt.u32 s24, $0xFFC;
	v20 =	vnsel vm0, $0xFFFFFFCE, v20;
	v18 =	vsub.f32 v18, v1;
	v3 =	vadd.f32 v13, v3;
	s25 =	smov.u32 s24;
	s24 =	sadd.s32 $0x4, s24  }
0x7e: {  	v19 =	vsub.f32 v19, v2;
	v9 =	vadd.f32 v10, v9;
	v13 =	vmov s26  }
0x7f: {  	v7 =	vadd.f32 v7, v16;
	s26 =	sadd.s32 $0x2, s25;
	v10 =	vand.u32 $0xFFFFFFFD, v13;
	v13 =	vsub.f32 v21, v1;
	v16 =	vld.idx.msk [tilespmem:v11+s16+$0x0], $0xffff  }
0x80: {  	v21 =	vmov s26;
	v6 =	vadd.f32 v6, v9;
	v10 =	vbroadcast v10, $0x0  }
0x81: {  	v19 =	vtrunc.f32 v19;
	v9 =	vand.u32 $0xFFFFFFFE, v21;
	v3 =	vadd.f32 v15, v3;
	v15 =	vld.idx.msk [tilespmem:v4+s15+$0x0], $0xffff  }
0x82: {  	vm0 =	vlt.s32 v20, $0x32;
	v9 =	vbroadcast v9, $0x0;
	v7 =	vadd.f32 v14, v7;
	v14 =	vld.idx.msk [tilespmem:v11+s19+$0x0], $0xffff  }
0x83: {  	s26 =	sadd.s32 $0x3, s25;
	v4 =	vcvt.f32.s32 v19;
	v13 =	vtrunc.f32 v13;
	v3 =	vadd.f32 v5, v3  }
0x84: {  	v19 =	vmov s26;
	v5 =	vcvt.f32.s32 v13;
	v13 =	vnsel vm0, $0x32, v20  }
0x85: {  	vm0 =	vgt.s32 v4, $0xFFFFFFCE;
	v13 =	vadd.s32 v17, v13;
	v3 =	vadd.f32 v16, v3;
	v11 =	vld.idx.msk [tilespmem:v11+s15+$0x0], $0xffff  }
0x86: {  	v17 =	vnsel vm0, $0xFFFFFFCE, v4;
	vm0 =	vgt.s32 v5, $0xFFFFFFCE;
	v4 =	vadd.s32 $0x13EC, v13;
	v16 =	vld.idx.msk [tilespmem:v10+s3+$0x0], $0xffff  }
0x87: {  	v13 =	vtrunc.f32 v18;
	vm1 =	vlt.s32 v17, $0x32;
	v5 =	vnsel vm0, $0xFFFFFFCE, v5;
	v10 =	vld.idx.msk [tilespmem:v10+s14+$0x0], $0xffff  }
0x88: {  	v17 =	vnsel vm1, $0x32, v17;
	vm0 =	vlt.s32 v5, $0x32;
	v14 =	vadd.f32 v14, v7  }
0x89: {  	v6 =	vadd.f32 v15, v6;
	v5 =	vnsel vm0, $0x32, v5;
	v17 =	vmul.u32 $0x65, v17;
	v7 =	vld.idx.msk [tilespmem:v9+s14+$0x0], $0xffff  }
0x8a: {  	v12 =	vadd.s32 $0x13EC, v12;
	v13 =	vcvt.f32.s32 v13;
	vm0 =	vgt.s32 v8, $0xFFFFFFCE;
	v15 =	vld.idx.msk [tilespmem:v9+s3+$0x0], $0xffff  }
0x8b: {  	v8 =	vnsel vm0, $0xFFFFFFCE, v8;
	v5 =	vadd.s32 v17, v5;
	v9 =	vadd.f32 v11, v6;
	v18 =	vld.idx.msk [tilespmem:v19+s3+$0x0], $0xffff  }
0x8c: {  	vm0 =	vgt.s32 v13, $0xFFFFFFCE;
	v11 =	vadd.s32 $0x13EC, v5;
	v6 =	vsub.f32 v16, v2;
	v5 =	vld.idx.msk [tilespmem:v4+s16+$0x0], $0xffff  }
0x8d: {  	vm1 =	vlt.s32 v8, $0x32;
	v16 =	vnsel vm0, $0xFFFFFFCE, v13;
	v10 =	vsub.f32 v10, v1  }
0x8e: {  	v13 =	vmov s25;
	vm0 =	vlt.s32 v16, $0x32;
	v6 =	vtrunc.f32 v6  }
0x8f: {  	v8 =	vnsel vm1, $0x32, v8;
	v13 =	vand.u32 $0xFFFFFFFC, v13;
	v17 =	vcvt.f32.s32 v6  }
0x90: {  	v8 =	vmul.u32 $0x65, v8;
	v21 =	vbroadcast v13, $0x0;
	v13 =	vsub.f32 v15, v2;
	v6 =	vld.idx.msk [tilespmem:v12+s15+$0x0], $0xffff  }
0x91: {  	v10 =	vtrunc.f32 v10;
	v15 =	vsub.f32 v7, v1;
	vm1 =	vgt.s32 v17, $0xFFFFFFCE;
	v7 =	vld.idx.msk [tilespmem:v12+s19+$0x0], $0xffff  }
0x92: {  	v22 =	vsub.f32 v18, v2;
	v17 =	vnsel vm1, $0xFFFFFFCE, v17;
	v13 =	vtrunc.f32 v13;
	v23 =	vld.idx.msk [tilespmem:v11+s19+$0x0], $0xffff  }
0x93: {  	v24 =	vcvt.f32.s32 v10;
	vm1 =	vlt.s32 v17, $0x32;
	v25 =	vcvt.f32.s32 v13;
	v10 =	vld.idx.msk [tilespmem:v11+s15+$0x0], $0xffff  }
0x94: {  	v15 =	vtrunc.f32 v15;
	v17 =	vnsel vm1, $0x32, v17;
	v13 =	vld.idx.msk [tilespmem:v11+s16+$0x0], $0xffff;
	v11 =	vnsel vm0, $0x32, v16  }
0x95: {  	v17 =	vmul.u32 $0x65, v17;
	vm0 =	vgt.s32 v25, $0xFFFFFFCE;
	v18 =	vld.idx.msk [tilespmem:v19+s14+$0x0], $0xffff;
	v8 =	vadd.s32 v8, v11  }
.Ltmp1:
0x96: {  	v20 =	vcvt.f32.s32 v15;
	vm1 =	vgt.s32 v24, $0xFFFFFFCE;
	v15 =	vnsel vm0, $0xFFFFFFCE, v25;
	v19 =	vld.idx.msk [tilespmem:v21+s3+$0x0], $0xffff;
	(pc) =	sbr.rel @p0 .LBB2_4-.Ltmp1, $4  }
0x97: {  	v22 =	vtrunc.f32 v22;
	v16 =	vnsel vm1, $0xFFFFFFCE, v24;
	v11 =	vadd.s32 $0x13EC, v8;
	v21 =	vld.idx.msk [tilespmem:v21+s14+$0x0], $0xffff  }
0x98: {  	vm0 =	vlt.s32 v16, $0x32;
	vm1 =	vlt.s32 v15, $0x32;
	v8 =	vcvt.f32.s32 v22  }
0x99: {  	v22 =	vnsel vm0, $0x32, v16;
	v24 =	vnsel vm1, $0x32, v15;
	v16 =	vadd.f32 v23, v14;
	v15 =	vld.idx.msk [tilespmem:v12+s16+$0x0], $0xffff  }
0x9a: {  	vm0 =	vgt.s32 v20, $0xFFFFFFCE;
	v12 =	vadd.s32 v17, v22;
	v17 =	vmul.u32 $0x65, v24;
	v14 =	vld.idx.msk [tilespmem:v4+s19+$0x0], $0xffff  }
0x9b: {  	v2 =	vsub.f32 v19, v2;
	_ =	sdelay $0x1  }
0x9c: {  	v19 =	vsub.f32 v21, v1;
	v2 =	vtrunc.f32 v2  }
0x9d: {  	v20 =	vnsel vm0, $0xFFFFFFCE, v20;
	v12 =	vadd.s32 $0x13EC, v12;
	v2 =	vcvt.f32.s32 v2  }
0x9e: {  	v9 =	vadd.f32 v10, v9;
	v3 =	vadd.f32 v13, v3;
	v19 =	vtrunc.f32 v19  }
0x9f: {  	v7 =	vadd.f32 v7, v16;
	v19 =	vcvt.f32.s32 v19;
	vm0 =	vgt.s32 v2, $0xFFFFFFCE  }
0xa0: {  	v1 =	vsub.f32 v18, v1;
	vm1 =	vlt.s32 v20, $0x32;
	v2 =	vnsel vm0, $0xFFFFFFCE, v2  }
0xa1: {  	v18 =	vnsel vm1, $0x32, v20;
	vm0 =	vgt.s32 v19, $0xFFFFFFCE;
	vm1 =	vlt.s32 v2, $0x32  }
0xa2: {  	v17 =	vadd.s32 v17, v18;
	v18 =	vnsel vm0, $0xFFFFFFCE, v19;
	v2 =	vnsel vm1, $0x32, v2  }
0xa3: {  	v6 =	vadd.f32 v6, v9;
	vm0 =	vlt.s32 v18, $0x32;
	v2 =	vmul.u32 $0x65, v2  }
0xa4: {  	v4 =	vld.idx.msk [tilespmem:v4+s15+$0x0], $0xffff;
	v1 =	vtrunc.f32 v1;
	v3 =	vadd.f32 v15, v3;
	v18 =	vnsel vm0, $0x32, v18  }
0xa5: {  	v1 =	vcvt.f32.s32 v1;
	v13 =	vld.idx.msk [tilespmem:v12+s15+$0x0], $0xffff;
	vm0 =	vgt.s32 v8, $0xFFFFFFCE;
	v2 =	vadd.s32 v2, v18  }
0xa6: {  	v9 =	vld.idx.msk [tilespmem:v12+s19+$0x0], $0xffff;
	v3 =	vadd.f32 v5, v3;
	v8 =	vnsel vm0, $0xFFFFFFCE, v8;
	v2 =	vadd.s32 $0x13EC, v2  }
0xa7: {  	v5 =	vadd.f32 v14, v7;
	v7 =	vld.idx.msk [tilespmem:v12+s16+$0x0], $0xffff;
	vm0 =	vgt.s32 v1, $0xFFFFFFCE;
	vm1 =	vlt.s32 v8, $0x32  }
0xa8: {  	v19 =	vld.idx.msk [tilespmem:v11+s16+$0x0], $0xffff;
	v1 =	vnsel vm0, $0xFFFFFFCE, v1;
	v8 =	vnsel vm1, $0x32, v8  }
0xa9: {  	v17 =	vadd.s32 $0x13EC, v17;
	v18 =	vld.idx.msk [tilespmem:v11+s19+$0x0], $0xffff;
	vm0 =	vlt.s32 v1, $0x32;
	v8 =	vmul.u32 $0x65, v8  }
0xaa: {  	v11 =	vld.idx.msk [tilespmem:v11+s15+$0x0], $0xffff;
	v1 =	vnsel vm0, $0x32, v1  }
0xab: {  	v1 =	vadd.s32 v8, v1;
	v15 =	vld.idx.msk [tilespmem:v2+s15+$0x0], $0xffff  }
0xac: {  	v4 =	vadd.f32 v4, v6;
	v1 =	vadd.s32 $0x13EC, v1;
	v6 =	vld.idx.msk [tilespmem:v2+s16+$0x0], $0xffff  }
0xad: {  	v2 =	vld.idx.msk [tilespmem:v2+s19+$0x0], $0xffff  }
0xae: {  	v10 =	vld.idx.msk [tilespmem:v17+s16+$0x0], $0xffff  }
0xaf: {  	v3 =	vadd.f32 v19, v3;
	v8 =	vld.idx.msk [tilespmem:v17+s15+$0x0], $0xffff  }
0xb0: {  	v4 =	vadd.f32 v11, v4;
	v5 =	vadd.f32 v18, v5;
	v11 =	vld.idx.msk [tilespmem:v17+s19+$0x0], $0xffff  }
0xb1: {  	v3 =	vadd.f32 v6, v3;
	v6 =	vld.idx.msk [tilespmem:v1+s15+$0x0], $0xffff  }
0xb2: {  	v4 =	vadd.f32 v15, v4;
	v2 =	vadd.f32 v2, v5;
	v5 =	vld.idx.msk [tilespmem:v1+s16+$0x0], $0xffff  }
0xb3: {  	s24 =	simm.s32 $0x1;
	v1 =	vld.idx.msk [tilespmem:v1+s19+$0x0], $0xffff;
	v3 =	vadd.f32 v7, v3  }
0xb4: {  	v4 =	vadd.f32 v13, v4;
	v7 =	vmov s24;
	v2 =	vadd.f32 v9, v2  }
0xb5: {  	v7 =	vand.u32 $0xFFFFFFFD, v7;
	v3 =	vadd.f32 v10, v3  }
0xb6: {  	v4 =	vadd.f32 v8, v4;
	v7 =	vbroadcast v7, $0x0;
	v2 =	vadd.f32 v11, v2  }
0xb7: {  	s31 =	simm.s32 $0x2;
	v3 =	vadd.f32 v5, v3  }
0xb8: {  	s25 =	simm.s32 $0x3;
	v4 =	vadd.f32 v6, v4;
	v1 =	vadd.f32 v1, v2;
	v2 =	vmov s31  }
0xb9: {  	v5 =	vmov s25;
	[tilespmem:$0x9860] =	vst v3;
	v3 =	vand.u32 $0xFFFFFFFE, v2  }
0xba: {  	[tilespmem:$0x9820] =	vst v4;
	v2 =	vld [tilespmem:$0x97B0];
	v3 =	vbroadcast v3, $0x0  }
0xbb: {  	[tilespmem:$0x98A0] =	vst v1;
	v1 =	vld [tilespmem:$0x97F0]  }
0xbc: {  	v4 =	vld.idx.msk [tilespmem:v7+s3+$0x0], $0xffff  }
0xbd: {  	v6 =	vld.idx.msk [tilespmem:v7+s14+$0x0], $0xffff  }
0xbe: {  	v9 =	vld.idx.msk [tilespmem:v5+s3+$0x0], $0xffff  }
0xbf: {  	v5 =	vld.idx.msk [tilespmem:v5+s14+$0x0], $0xffff  }
0xc0: {  	s26 =	simm.s32 $0x0;
	v7 =	vld.idx.msk [tilespmem:v3+s3+$0x0], $0xffff  }
0xc1: {  	v8 =	vld.idx.msk [tilespmem:v3+s14+$0x0], $0xffff;
	v3 =	vmov s26  }
0xc2: {  	v4 =	vsub.f32 v4, v2;
	v3 =	vand.u32 $0xFFFFFFFC, v3  }
0xc3: {  	s28 =	simm.s32 $0x5;
	v10 =	vbroadcast v3, $0x0  }
0xc4: {  	s30 =	simm.s32 $0x7;
	v12 =	vmov s28;
	v6 =	vsub.f32 v6, v1;
	v4 =	vtrunc.f32 v4  }
0xc5: {  	v14 =	vmov s30;
	v12 =	vand.u32 $0xFFFFFFFD, v12;
	v4 =	vcvt.f32.s32 v4  }
0xc6: {  	v9 =	vsub.f32 v9, v2;
	v5 =	vsub.f32 v5, v1;
	v6 =	vtrunc.f32 v6  }
0xc7: {  	v7 =	vsub.f32 v7, v2;
	vm0 =	vgt.s32 v4, $0xFFFFFFCE;
	v8 =	vsub.f32 v8, v1  }
0xc8: {  	v3 =	vimm.f32 $0.0e+00;
	v6 =	vcvt.f32.s32 v6;
	v4 =	vnsel vm0, $0xFFFFFFCE, v4  }
0xc9: {  	v7 =	vtrunc.f32 v7;
	vm0 =	vlt.s32 v4, $0x32;
	v8 =	vtrunc.f32 v8;
	v11 =	vld.idx.msk [tilespmem:v10+s3+$0x0], $0xffff  }
0xca: {  	v7 =	vcvt.f32.s32 v7;
	v4 =	vnsel vm0, $0x32, v4;
	vm0 =	vgt.s32 v6, $0xFFFFFFCE;
	v10 =	vld.idx.msk [tilespmem:v10+s14+$0x0], $0xffff  }
0xcb: {  	v9 =	vtrunc.f32 v9;
	v8 =	vcvt.f32.s32 v8;
	v6 =	vnsel vm0, $0xFFFFFFCE, v6  }
0xcc: {  	v4 =	vmul.u32 $0x65, v4;
	vm1 =	vgt.s32 v7, $0xFFFFFFCE;
	vm0 =	vlt.s32 v6, $0x32  }
0xcd: {  	v5 =	vtrunc.f32 v5;
	v7 =	vnsel vm1, $0xFFFFFFCE, v7;
	v6 =	vnsel vm0, $0x32, v6  }
0xce: {  	s29 =	simm.s32 $0x6;
	vm0 =	vgt.s32 v8, $0xFFFFFFCE;
	v6 =	vadd.s32 v4, v6;
	v4 =	vsub.f32 v11, v2  }
0xcf: {  	v11 =	vbroadcast v12, $0x0;
	v10 =	vsub.f32 v10, v1;
	v12 =	vmov s29  }
0xd0: {  	vm1 =	vlt.s32 v7, $0x32;
	v12 =	vand.u32 $0xFFFFFFFE, v12;
	v4 =	vtrunc.f32 v4  }
0xd1: {  	v8 =	vnsel vm0, $0xFFFFFFCE, v8;
	v10 =	vtrunc.f32 v10;
	v12 =	vbroadcast v12, $0x0  }
0xd2: {  	v7 =	vnsel vm1, $0x32, v7;
	v4 =	vcvt.f32.s32 v4;
	v10 =	vcvt.f32.s32 v10  }
0xd3: {  	v9 =	vcvt.f32.s32 v9;
	vm0 =	vlt.s32 v8, $0x32;
	v7 =	vmul.u32 $0x65, v7  }
0xd4: {  	v8 =	vnsel vm0, $0x32, v8;
	vm1 =	vgt.s32 v4, $0xFFFFFFCE;
	vm0 =	vgt.s32 v10, $0xFFFFFFCE  }
0xd5: {  	v13 =	vld.idx.msk [tilespmem:v11+s3+$0x0], $0xffff;
	v15 =	vnsel vm1, $0xFFFFFFCE, v4;
	v4 =	vadd.s32 v7, v8;
	v8 =	vnsel vm0, $0xFFFFFFCE, v10  }
0xd6: {  	v5 =	vcvt.f32.s32 v5;
	v7 =	vld.idx.msk [tilespmem:v11+s14+$0x0], $0xffff;
	vm1 =	vlt.s32 v15, $0x32;
	vm0 =	vlt.s32 v8, $0x32  }
0xd7: {  	v10 =	vnsel vm1, $0x32, v15;
	v8 =	vnsel vm0, $0x32, v8;
	vm0 =	vgt.s32 v9, $0xFFFFFFCE  }
0xd8: {  	v15 =	vadd.s32 $0x13EC, v6;
	v6 =	vld.idx.msk [tilespmem:v12+s3+$0x0], $0xffff;
	v10 =	vmul.u32 $0x65, v10;
	v9 =	vnsel vm0, $0xFFFFFFCE, v9  }
0xd9: {  	v4 =	vadd.s32 $0x13EC, v4;
	v11 =	vld.idx.msk [tilespmem:v12+s14+$0x0], $0xffff;
	vm0 =	vgt.s32 v5, $0xFFFFFFCE;
	vm1 =	vlt.s32 v9, $0x32  }
0xda: {  	s31 =	simm.s32 $0x4;
	v12 =	vld.idx.msk [tilespmem:v14+s3+$0x0], $0xffff;
	v16 =	vnsel vm0, $0xFFFFFFCE, v5;
	v8 =	vadd.s32 v10, v8;
	v10 =	vsub.f32 v13, v2  }
0xdb: {  	v7 =	vsub.f32 v7, v1;
	v13 =	vmov s31;
	vm0 =	vlt.s32 v16, $0x32  }
0xdc: {  	v9 =	vnsel vm1, $0x32, v9;
	v8 =	vadd.s32 $0x13EC, v8;
	v5 =	vand.u32 $0xFFFFFFFC, v13  }
0xdd: {  	v9 =	vmul.u32 $0x65, v9;
	v16 =	vnsel vm0, $0x32, v16;
	v10 =	vtrunc.f32 v10  }
0xde: {  	v17 =	vbroadcast v5, $0x0;
	v5 =	vld.idx.msk [tilespmem:v4+s16+$0x0], $0xffff;
	v13 =	vsub.f32 v6, v2;
	v10 =	vcvt.f32.s32 v10  }
0xdf: {  	v6 =	vld.idx.msk [tilespmem:v15+s15+$0x0], $0xffff;
	v18 =	vtrunc.f32 v7;
	v11 =	vsub.f32 v11, v1;
	v12 =	vsub.f32 v12, v2  }
0xe0: {  	v7 =	vld.idx.msk [tilespmem:v15+s19+$0x0], $0xffff;
	v19 =	vcvt.f32.s32 v18;
	v13 =	vtrunc.f32 v13;
	vm1 =	vgt.s32 v10, $0xFFFFFFCE  }
0xe1: {  	v18 =	vld.idx.msk [tilespmem:v14+s14+$0x0], $0xffff;
	v11 =	vtrunc.f32 v11;
	v21 =	vcvt.f32.s32 v13;
	v10 =	vnsel vm1, $0xFFFFFFCE, v10  }
0xe2: {  	v12 =	vtrunc.f32 v12;
	v20 =	vcvt.f32.s32 v11;
	v22 =	vld.idx.msk [tilespmem:v8+s19+$0x0], $0xffff;
	vm1 =	vlt.s32 v10, $0x32  }
0xe3: {  	vm0 =	vgt.s32 v21, $0xFFFFFFCE;
	v13 =	vnsel vm1, $0x32, v10;
	v10 =	vld.idx.msk [tilespmem:v8+s15+$0x0], $0xffff;
	vm1 =	vgt.s32 v19, $0xFFFFFFCE  }
0xe4: {  	v23 =	vmul.u32 $0x65, v13;
	v13 =	vld.idx.msk [tilespmem:v8+s16+$0x0], $0xffff;
	v8 =	vadd.s32 v9, v16;
	v14 =	vnsel vm1, $0xFFFFFFCE, v19  }
0xe5: {  	v15 =	vld.idx.msk [tilespmem:v15+s16+$0x0], $0xffff;
	v9 =	vnsel vm0, $0xFFFFFFCE, v21;
	v11 =	vadd.s32 $0x13EC, v8;
	vm0 =	vlt.s32 v14, $0x32  }
0xe6: {  	v19 =	vld.idx.msk [tilespmem:v17+s3+$0x0], $0xffff;
	vm1 =	vlt.s32 v9, $0x32;
	v8 =	vcvt.f32.s32 v12;
	v12 =	vnsel vm0, $0x32, v14  }
0xe7: {  	v21 =	vld.idx.msk [tilespmem:v17+s14+$0x0], $0xffff;
	v9 =	vnsel vm1, $0x32, v9;
	v16 =	vadd.f32 v22, v3;
	vm0 =	vgt.s32 v20, $0xFFFFFFCE  }
0xe8: {  	s24 =	simm.s32 $0x8;
	v14 =	vld.idx.msk [tilespmem:v4+s19+$0x0], $0xffff;
	v12 =	vadd.s32 v23, v12;
	v17 =	vmul.u32 $0x65, v9;
	v9 =	vimm.f32 $0.0e+00  }
.LBB2_6:
0xe9: {  	s26 =	sadd.s32 $0x1, s24  }
0xea: {  	p0 =	slt.u32 s24, $0xFFC;
	v20 =	vnsel vm0, $0xFFFFFFCE, v20;
	v18 =	vsub.f32 v18, v1;
	v3 =	vadd.f32 v13, v3;
	s25 =	smov.u32 s24;
	s24 =	sadd.s32 $0x4, s24  }
0xeb: {  	v19 =	vsub.f32 v19, v2;
	v9 =	vadd.f32 v10, v9;
	v13 =	vmov s26  }
0xec: {  	v7 =	vadd.f32 v7, v16;
	s26 =	sadd.s32 $0x2, s25;
	v10 =	vand.u32 $0xFFFFFFFD, v13;
	v13 =	vsub.f32 v21, v1;
	v16 =	vld.idx.msk [tilespmem:v11+s16+$0x0], $0xffff  }
0xed: {  	v21 =	vmov s26;
	v6 =	vadd.f32 v6, v9;
	v10 =	vbroadcast v10, $0x0  }
0xee: {  	v19 =	vtrunc.f32 v19;
	v9 =	vand.u32 $0xFFFFFFFE, v21;
	v3 =	vadd.f32 v15, v3;
	v15 =	vld.idx.msk [tilespmem:v4+s15+$0x0], $0xffff  }
0xef: {  	vm0 =	vlt.s32 v20, $0x32;
	v9 =	vbroadcast v9, $0x0;
	v7 =	vadd.f32 v14, v7;
	v14 =	vld.idx.msk [tilespmem:v11+s19+$0x0], $0xffff  }
0xf0: {  	s26 =	sadd.s32 $0x3, s25;
	v4 =	vcvt.f32.s32 v19;
	v13 =	vtrunc.f32 v13;
	v3 =	vadd.f32 v5, v3  }
0xf1: {  	v19 =	vmov s26;
	v5 =	vcvt.f32.s32 v13;
	v13 =	vnsel vm0, $0x32, v20  }
0xf2: {  	vm0 =	vgt.s32 v4, $0xFFFFFFCE;
	v13 =	vadd.s32 v17, v13;
	v3 =	vadd.f32 v16, v3;
	v11 =	vld.idx.msk [tilespmem:v11+s15+$0x0], $0xffff  }
0xf3: {  	v17 =	vnsel vm0, $0xFFFFFFCE, v4;
	vm0 =	vgt.s32 v5, $0xFFFFFFCE;
	v4 =	vadd.s32 $0x13EC, v13;
	v16 =	vld.idx.msk [tilespmem:v10+s3+$0x0], $0xffff  }
0xf4: {  	v13 =	vtrunc.f32 v18;
	vm1 =	vlt.s32 v17, $0x32;
	v5 =	vnsel vm0, $0xFFFFFFCE, v5;
	v10 =	vld.idx.msk [tilespmem:v10+s14+$0x0], $0xffff  }
0xf5: {  	v17 =	vnsel vm1, $0x32, v17;
	vm0 =	vlt.s32 v5, $0x32;
	v14 =	vadd.f32 v14, v7  }
0xf6: {  	v6 =	vadd.f32 v15, v6;
	v5 =	vnsel vm0, $0x32, v5;
	v17 =	vmul.u32 $0x65, v17;
	v7 =	vld.idx.msk [tilespmem:v9+s14+$0x0], $0xffff  }
0xf7: {  	v12 =	vadd.s32 $0x13EC, v12;
	v13 =	vcvt.f32.s32 v13;
	vm0 =	vgt.s32 v8, $0xFFFFFFCE;
	v15 =	vld.idx.msk [tilespmem:v9+s3+$0x0], $0xffff  }
0xf8: {  	v8 =	vnsel vm0, $0xFFFFFFCE, v8;
	v5 =	vadd.s32 v17, v5;
	v9 =	vadd.f32 v11, v6;
	v18 =	vld.idx.msk [tilespmem:v19+s3+$0x0], $0xffff  }
0xf9: {  	vm0 =	vgt.s32 v13, $0xFFFFFFCE;
	v11 =	vadd.s32 $0x13EC, v5;
	v6 =	vsub.f32 v16, v2;
	v5 =	vld.idx.msk [tilespmem:v4+s16+$0x0], $0xffff  }
0xfa: {  	vm1 =	vlt.s32 v8, $0x32;
	v16 =	vnsel vm0, $0xFFFFFFCE, v13;
	v10 =	vsub.f32 v10, v1  }
0xfb: {  	v13 =	vmov s25;
	vm0 =	vlt.s32 v16, $0x32;
	v6 =	vtrunc.f32 v6  }
0xfc: {  	v8 =	vnsel vm1, $0x32, v8;
	v13 =	vand.u32 $0xFFFFFFFC, v13;
	v17 =	vcvt.f32.s32 v6  }
0xfd: {  	v8 =	vmul.u32 $0x65, v8;
	v21 =	vbroadcast v13, $0x0;
	v13 =	vsub.f32 v15, v2;
	v6 =	vld.idx.msk [tilespmem:v12+s15+$0x0], $0xffff  }
0xfe: {  	v10 =	vtrunc.f32 v10;
	v15 =	vsub.f32 v7, v1;
	vm1 =	vgt.s32 v17, $0xFFFFFFCE;
	v7 =	vld.idx.msk [tilespmem:v12+s19+$0x0], $0xffff  }
0xff: {  	v22 =	vsub.f32 v18, v2;
	v17 =	vnsel vm1, $0xFFFFFFCE, v17;
	v13 =	vtrunc.f32 v13;
	v23 =	vld.idx.msk [tilespmem:v11+s19+$0x0], $0xffff  }
0x100: {  	v24 =	vcvt.f32.s32 v10;
	vm1 =	vlt.s32 v17, $0x32;
	v25 =	vcvt.f32.s32 v13;
	v10 =	vld.idx.msk [tilespmem:v11+s15+$0x0], $0xffff  }
0x101: {  	v15 =	vtrunc.f32 v15;
	v17 =	vnsel vm1, $0x32, v17;
	v13 =	vld.idx.msk [tilespmem:v11+s16+$0x0], $0xffff;
	v11 =	vnsel vm0, $0x32, v16  }
0x102: {  	v17 =	vmul.u32 $0x65, v17;
	vm0 =	vgt.s32 v25, $0xFFFFFFCE;
	v18 =	vld.idx.msk [tilespmem:v19+s14+$0x0], $0xffff;
	v8 =	vadd.s32 v8, v11  }
.Ltmp2:
0x103: {  	v20 =	vcvt.f32.s32 v15;
	vm1 =	vgt.s32 v24, $0xFFFFFFCE;
	v15 =	vnsel vm0, $0xFFFFFFCE, v25;
	v19 =	vld.idx.msk [tilespmem:v21+s3+$0x0], $0xffff;
	(pc) =	sbr.rel @p0 .LBB2_6-.Ltmp2, $4  }
0x104: {  	v22 =	vtrunc.f32 v22;
	v16 =	vnsel vm1, $0xFFFFFFCE, v24;
	v11 =	vadd.s32 $0x13EC, v8;
	v21 =	vld.idx.msk [tilespmem:v21+s14+$0x0], $0xffff  }
0x105: {  	vm0 =	vlt.s32 v16, $0x32;
	vm1 =	vlt.s32 v15, $0x32;
	v8 =	vcvt.f32.s32 v22  }
0x106: {  	v22 =	vnsel vm0, $0x32, v16;
	v24 =	vnsel vm1, $0x32, v15;
	v16 =	vadd.f32 v23, v14;
	v15 =	vld.idx.msk [tilespmem:v12+s16+$0x0], $0xffff  }
0x107: {  	vm0 =	vgt.s32 v20, $0xFFFFFFCE;
	v12 =	vadd.s32 v17, v22;
	v17 =	vmul.u32 $0x65, v24;
	v14 =	vld.idx.msk [tilespmem:v4+s19+$0x0], $0xffff  }
0x108: {  	v2 =	vsub.f32 v19, v2;
	_ =	sdelay $0x1  }
0x109: {  	v19 =	vsub.f32 v21, v1;
	v2 =	vtrunc.f32 v2  }
0x10a: {  	v20 =	vnsel vm0, $0xFFFFFFCE, v20;
	v12 =	vadd.s32 $0x13EC, v12;
	v2 =	vcvt.f32.s32 v2  }
0x10b: {  	v9 =	vadd.f32 v10, v9;
	v3 =	vadd.f32 v13, v3;
	v19 =	vtrunc.f32 v19  }
0x10c: {  	v7 =	vadd.f32 v7, v16;
	v19 =	vcvt.f32.s32 v19;
	vm0 =	vgt.s32 v2, $0xFFFFFFCE  }
0x10d: {  	v1 =	vsub.f32 v18, v1;
	vm1 =	vlt.s32 v20, $0x32;
	v2 =	vnsel vm0, $0xFFFFFFCE, v2  }
0x10e: {  	v18 =	vnsel vm1, $0x32, v20;
	vm0 =	vgt.s32 v19, $0xFFFFFFCE;
	vm1 =	vlt.s32 v2, $0x32  }
0x10f: {  	v17 =	vadd.s32 v17, v18;
	v18 =	vnsel vm0, $0xFFFFFFCE, v19;
	v2 =	vnsel vm1, $0x32, v2  }
0x110: {  	v6 =	vadd.f32 v6, v9;
	vm0 =	vlt.s32 v18, $0x32;
	v2 =	vmul.u32 $0x65, v2  }
0x111: {  	v4 =	vld.idx.msk [tilespmem:v4+s15+$0x0], $0xffff;
	v1 =	vtrunc.f32 v1;
	v3 =	vadd.f32 v15, v3;
	v18 =	vnsel vm0, $0x32, v18  }
0x112: {  	v1 =	vcvt.f32.s32 v1;
	v13 =	vld.idx.msk [tilespmem:v12+s15+$0x0], $0xffff;
	vm0 =	vgt.s32 v8, $0xFFFFFFCE;
	v2 =	vadd.s32 v2, v18  }
0x113: {  	v9 =	vld.idx.msk [tilespmem:v12+s19+$0x0], $0xffff;
	v3 =	vadd.f32 v5, v3;
	v8 =	vnsel vm0, $0xFFFFFFCE, v8;
	v2 =	vadd.s32 $0x13EC, v2  }
0x114: {  	v5 =	vadd.f32 v14, v7;
	v7 =	vld.idx.msk [tilespmem:v12+s16+$0x0], $0xffff;
	vm0 =	vgt.s32 v1, $0xFFFFFFCE;
	vm1 =	vlt.s32 v8, $0x32  }
0x115: {  	v19 =	vld.idx.msk [tilespmem:v11+s16+$0x0], $0xffff;
	v1 =	vnsel vm0, $0xFFFFFFCE, v1;
	v8 =	vnsel vm1, $0x32, v8  }
0x116: {  	v17 =	vadd.s32 $0x13EC, v17;
	v18 =	vld.idx.msk [tilespmem:v11+s19+$0x0], $0xffff;
	vm0 =	vlt.s32 v1, $0x32;
	v8 =	vmul.u32 $0x65, v8  }
0x117: {  	v11 =	vld.idx.msk [tilespmem:v11+s15+$0x0], $0xffff;
	v1 =	vnsel vm0, $0x32, v1  }
0x118: {  	v1 =	vadd.s32 v8, v1;
	v15 =	vld.idx.msk [tilespmem:v2+s15+$0x0], $0xffff  }
0x119: {  	v4 =	vadd.f32 v4, v6;
	v1 =	vadd.s32 $0x13EC, v1;
	v6 =	vld.idx.msk [tilespmem:v2+s16+$0x0], $0xffff  }
0x11a: {  	v2 =	vld.idx.msk [tilespmem:v2+s19+$0x0], $0xffff  }
0x11b: {  	v10 =	vld.idx.msk [tilespmem:v17+s16+$0x0], $0xffff  }
0x11c: {  	v3 =	vadd.f32 v19, v3;
	v8 =	vld.idx.msk [tilespmem:v17+s15+$0x0], $0xffff  }
0x11d: {  	v4 =	vadd.f32 v11, v4;
	v5 =	vadd.f32 v18, v5;
	v11 =	vld.idx.msk [tilespmem:v17+s19+$0x0], $0xffff  }
0x11e: {  	v3 =	vadd.f32 v6, v3;
	v6 =	vld.idx.msk [tilespmem:v1+s15+$0x0], $0xffff  }
0x11f: {  	v4 =	vadd.f32 v15, v4;
	v2 =	vadd.f32 v2, v5;
	v5 =	vld.idx.msk [tilespmem:v1+s16+$0x0], $0xffff  }
0x120: {  	s24 =	simm.s32 $0x1;
	v1 =	vld.idx.msk [tilespmem:v1+s19+$0x0], $0xffff;
	v3 =	vadd.f32 v7, v3  }
0x121: {  	v4 =	vadd.f32 v13, v4;
	v7 =	vmov s24;
	v2 =	vadd.f32 v9, v2  }
0x122: {  	v7 =	vand.u32 $0xFFFFFFFD, v7;
	v3 =	vadd.f32 v10, v3  }
0x123: {  	v4 =	vadd.f32 v8, v4;
	v7 =	vbroadcast v7, $0x0;
	v2 =	vadd.f32 v11, v2  }
0x124: {  	s31 =	simm.s32 $0x2;
	v3 =	vadd.f32 v5, v3  }
0x125: {  	s25 =	simm.s32 $0x3;
	v4 =	vadd.f32 v6, v4;
	v1 =	vadd.f32 v1, v2;
	v2 =	vmov s31  }
0x126: {  	v5 =	vmov s25;
	[tilespmem:$0x9870] =	vst v3;
	v3 =	vand.u32 $0xFFFFFFFE, v2  }
0x127: {  	[tilespmem:$0x9830] =	vst v4;
	v2 =	vld [tilespmem:$0x97C0];
	v3 =	vbroadcast v3, $0x0  }
0x128: {  	[tilespmem:$0x98B0] =	vst v1;
	v1 =	vld [tilespmem:$0x9800]  }
0x129: {  	v4 =	vld.idx.msk [tilespmem:v7+s3+$0x0], $0xffff  }
0x12a: {  	v6 =	vld.idx.msk [tilespmem:v7+s14+$0x0], $0xffff  }
0x12b: {  	v9 =	vld.idx.msk [tilespmem:v5+s3+$0x0], $0xffff  }
0x12c: {  	v5 =	vld.idx.msk [tilespmem:v5+s14+$0x0], $0xffff  }
0x12d: {  	s26 =	simm.s32 $0x0;
	v7 =	vld.idx.msk [tilespmem:v3+s3+$0x0], $0xffff  }
0x12e: {  	v8 =	vld.idx.msk [tilespmem:v3+s14+$0x0], $0xffff;
	v3 =	vmov s26  }
0x12f: {  	v4 =	vsub.f32 v4, v2;
	v3 =	vand.u32 $0xFFFFFFFC, v3  }
0x130: {  	s28 =	simm.s32 $0x5;
	v10 =	vbroadcast v3, $0x0  }
0x131: {  	s30 =	simm.s32 $0x7;
	v12 =	vmov s28;
	v6 =	vsub.f32 v6, v1;
	v4 =	vtrunc.f32 v4  }
0x132: {  	v14 =	vmov s30;
	v12 =	vand.u32 $0xFFFFFFFD, v12;
	v4 =	vcvt.f32.s32 v4  }
0x133: {  	v9 =	vsub.f32 v9, v2;
	v5 =	vsub.f32 v5, v1;
	v6 =	vtrunc.f32 v6  }
0x134: {  	v7 =	vsub.f32 v7, v2;
	vm0 =	vgt.s32 v4, $0xFFFFFFCE;
	v8 =	vsub.f32 v8, v1  }
0x135: {  	v3 =	vimm.f32 $0.0e+00;
	v6 =	vcvt.f32.s32 v6;
	v4 =	vnsel vm0, $0xFFFFFFCE, v4  }
0x136: {  	v7 =	vtrunc.f32 v7;
	vm0 =	vlt.s32 v4, $0x32;
	v8 =	vtrunc.f32 v8;
	v11 =	vld.idx.msk [tilespmem:v10+s3+$0x0], $0xffff  }
0x137: {  	v7 =	vcvt.f32.s32 v7;
	v4 =	vnsel vm0, $0x32, v4;
	vm0 =	vgt.s32 v6, $0xFFFFFFCE;
	v10 =	vld.idx.msk [tilespmem:v10+s14+$0x0], $0xffff  }
0x138: {  	v9 =	vtrunc.f32 v9;
	v8 =	vcvt.f32.s32 v8;
	v6 =	vnsel vm0, $0xFFFFFFCE, v6  }
0x139: {  	v4 =	vmul.u32 $0x65, v4;
	vm1 =	vgt.s32 v7, $0xFFFFFFCE;
	vm0 =	vlt.s32 v6, $0x32  }
0x13a: {  	v5 =	vtrunc.f32 v5;
	v7 =	vnsel vm1, $0xFFFFFFCE, v7;
	v6 =	vnsel vm0, $0x32, v6  }
0x13b: {  	s29 =	simm.s32 $0x6;
	vm0 =	vgt.s32 v8, $0xFFFFFFCE;
	v6 =	vadd.s32 v4, v6;
	v4 =	vsub.f32 v11, v2  }
0x13c: {  	v11 =	vbroadcast v12, $0x0;
	v10 =	vsub.f32 v10, v1;
	v12 =	vmov s29  }
0x13d: {  	vm1 =	vlt.s32 v7, $0x32;
	v12 =	vand.u32 $0xFFFFFFFE, v12;
	v4 =	vtrunc.f32 v4  }
0x13e: {  	v8 =	vnsel vm0, $0xFFFFFFCE, v8;
	v10 =	vtrunc.f32 v10;
	v12 =	vbroadcast v12, $0x0  }
0x13f: {  	v7 =	vnsel vm1, $0x32, v7;
	v4 =	vcvt.f32.s32 v4;
	v10 =	vcvt.f32.s32 v10  }
0x140: {  	v9 =	vcvt.f32.s32 v9;
	vm0 =	vlt.s32 v8, $0x32;
	v7 =	vmul.u32 $0x65, v7  }
0x141: {  	v8 =	vnsel vm0, $0x32, v8;
	vm1 =	vgt.s32 v4, $0xFFFFFFCE;
	vm0 =	vgt.s32 v10, $0xFFFFFFCE  }
0x142: {  	v13 =	vld.idx.msk [tilespmem:v11+s3+$0x0], $0xffff;
	v15 =	vnsel vm1, $0xFFFFFFCE, v4;
	v4 =	vadd.s32 v7, v8;
	v8 =	vnsel vm0, $0xFFFFFFCE, v10  }
0x143: {  	v5 =	vcvt.f32.s32 v5;
	v7 =	vld.idx.msk [tilespmem:v11+s14+$0x0], $0xffff;
	vm1 =	vlt.s32 v15, $0x32;
	vm0 =	vlt.s32 v8, $0x32  }
0x144: {  	v10 =	vnsel vm1, $0x32, v15;
	v8 =	vnsel vm0, $0x32, v8;
	vm0 =	vgt.s32 v9, $0xFFFFFFCE  }
0x145: {  	v15 =	vadd.s32 $0x13EC, v6;
	v6 =	vld.idx.msk [tilespmem:v12+s3+$0x0], $0xffff;
	v10 =	vmul.u32 $0x65, v10;
	v9 =	vnsel vm0, $0xFFFFFFCE, v9  }
0x146: {  	v4 =	vadd.s32 $0x13EC, v4;
	v11 =	vld.idx.msk [tilespmem:v12+s14+$0x0], $0xffff;
	vm0 =	vgt.s32 v5, $0xFFFFFFCE;
	vm1 =	vlt.s32 v9, $0x32  }
0x147: {  	s31 =	simm.s32 $0x4;
	v12 =	vld.idx.msk [tilespmem:v14+s3+$0x0], $0xffff;
	v16 =	vnsel vm0, $0xFFFFFFCE, v5;
	v8 =	vadd.s32 v10, v8;
	v10 =	vsub.f32 v13, v2  }
0x148: {  	v7 =	vsub.f32 v7, v1;
	v13 =	vmov s31;
	vm0 =	vlt.s32 v16, $0x32  }
0x149: {  	v9 =	vnsel vm1, $0x32, v9;
	v8 =	vadd.s32 $0x13EC, v8;
	v5 =	vand.u32 $0xFFFFFFFC, v13  }
0x14a: {  	v9 =	vmul.u32 $0x65, v9;
	v16 =	vnsel vm0, $0x32, v16;
	v10 =	vtrunc.f32 v10  }
0x14b: {  	v17 =	vbroadcast v5, $0x0;
	v5 =	vld.idx.msk [tilespmem:v4+s16+$0x0], $0xffff;
	v13 =	vsub.f32 v6, v2;
	v10 =	vcvt.f32.s32 v10  }
0x14c: {  	v6 =	vld.idx.msk [tilespmem:v15+s15+$0x0], $0xffff;
	v18 =	vtrunc.f32 v7;
	v11 =	vsub.f32 v11, v1;
	v12 =	vsub.f32 v12, v2  }
0x14d: {  	v7 =	vld.idx.msk [tilespmem:v15+s19+$0x0], $0xffff;
	v19 =	vcvt.f32.s32 v18;
	v13 =	vtrunc.f32 v13;
	vm1 =	vgt.s32 v10, $0xFFFFFFCE  }
0x14e: {  	v18 =	vld.idx.msk [tilespmem:v14+s14+$0x0], $0xffff;
	v11 =	vtrunc.f32 v11;
	v21 =	vcvt.f32.s32 v13;
	v10 =	vnsel vm1, $0xFFFFFFCE, v10  }
0x14f: {  	v12 =	vtrunc.f32 v12;
	v20 =	vcvt.f32.s32 v11;
	v22 =	vld.idx.msk [tilespmem:v8+s19+$0x0], $0xffff;
	vm1 =	vlt.s32 v10, $0x32  }
0x150: {  	vm0 =	vgt.s32 v21, $0xFFFFFFCE;
	v13 =	vnsel vm1, $0x32, v10;
	v10 =	vld.idx.msk [tilespmem:v8+s15+$0x0], $0xffff;
	vm1 =	vgt.s32 v19, $0xFFFFFFCE  }
0x151: {  	v23 =	vmul.u32 $0x65, v13;
	v13 =	vld.idx.msk [tilespmem:v8+s16+$0x0], $0xffff;
	v8 =	vadd.s32 v9, v16;
	v14 =	vnsel vm1, $0xFFFFFFCE, v19  }
0x152: {  	v15 =	vld.idx.msk [tilespmem:v15+s16+$0x0], $0xffff;
	v9 =	vnsel vm0, $0xFFFFFFCE, v21;
	v11 =	vadd.s32 $0x13EC, v8;
	vm0 =	vlt.s32 v14, $0x32  }
0x153: {  	v19 =	vld.idx.msk [tilespmem:v17+s3+$0x0], $0xffff;
	vm1 =	vlt.s32 v9, $0x32;
	v8 =	vcvt.f32.s32 v12;
	v12 =	vnsel vm0, $0x32, v14  }
0x154: {  	v21 =	vld.idx.msk [tilespmem:v17+s14+$0x0], $0xffff;
	v9 =	vnsel vm1, $0x32, v9;
	v16 =	vadd.f32 v22, v3;
	vm0 =	vgt.s32 v20, $0xFFFFFFCE  }
0x155: {  	s24 =	simm.s32 $0x8;
	v14 =	vld.idx.msk [tilespmem:v4+s19+$0x0], $0xffff;
	v12 =	vadd.s32 v23, v12;
	v17 =	vmul.u32 $0x65, v9;
	v9 =	vimm.f32 $0.0e+00  }
.LBB2_8:
0x156: {  	s26 =	sadd.s32 $0x1, s24  }
0x157: {  	p0 =	slt.u32 s24, $0xFFC;
	v20 =	vnsel vm0, $0xFFFFFFCE, v20;
	v18 =	vsub.f32 v18, v1;
	v3 =	vadd.f32 v13, v3;
	s25 =	smov.u32 s24;
	s24 =	sadd.s32 $0x4, s24  }
0x158: {  	v19 =	vsub.f32 v19, v2;
	v9 =	vadd.f32 v10, v9;
	v13 =	vmov s26  }
0x159: {  	v7 =	vadd.f32 v7, v16;
	s26 =	sadd.s32 $0x2, s25;
	v10 =	vand.u32 $0xFFFFFFFD, v13;
	v13 =	vsub.f32 v21, v1;
	v16 =	vld.idx.msk [tilespmem:v11+s16+$0x0], $0xffff  }
0x15a: {  	v21 =	vmov s26;
	v6 =	vadd.f32 v6, v9;
	v10 =	vbroadcast v10, $0x0  }
0x15b: {  	v19 =	vtrunc.f32 v19;
	v9 =	vand.u32 $0xFFFFFFFE, v21;
	v3 =	vadd.f32 v15, v3;
	v15 =	vld.idx.msk [tilespmem:v4+s15+$0x0], $0xffff  }
0x15c: {  	vm0 =	vlt.s32 v20, $0x32;
	v9 =	vbroadcast v9, $0x0;
	v7 =	vadd.f32 v14, v7;
	v14 =	vld.idx.msk [tilespmem:v11+s19+$0x0], $0xffff  }
0x15d: {  	s26 =	sadd.s32 $0x3, s25;
	v4 =	vcvt.f32.s32 v19;
	v13 =	vtrunc.f32 v13;
	v3 =	vadd.f32 v5, v3  }
0x15e: {  	v19 =	vmov s26;
	v5 =	vcvt.f32.s32 v13;
	v13 =	vnsel vm0, $0x32, v20  }
0x15f: {  	vm0 =	vgt.s32 v4, $0xFFFFFFCE;
	v13 =	vadd.s32 v17, v13;
	v3 =	vadd.f32 v16, v3;
	v11 =	vld.idx.msk [tilespmem:v11+s15+$0x0], $0xffff  }
0x160: {  	v17 =	vnsel vm0, $0xFFFFFFCE, v4;
	vm0 =	vgt.s32 v5, $0xFFFFFFCE;
	v4 =	vadd.s32 $0x13EC, v13;
	v16 =	vld.idx.msk [tilespmem:v10+s3+$0x0], $0xffff  }
0x161: {  	v13 =	vtrunc.f32 v18;
	vm1 =	vlt.s32 v17, $0x32;
	v5 =	vnsel vm0, $0xFFFFFFCE, v5;
	v10 =	vld.idx.msk [tilespmem:v10+s14+$0x0], $0xffff  }
0x162: {  	v17 =	vnsel vm1, $0x32, v17;
	vm0 =	vlt.s32 v5, $0x32;
	v14 =	vadd.f32 v14, v7  }
0x163: {  	v6 =	vadd.f32 v15, v6;
	v5 =	vnsel vm0, $0x32, v5;
	v17 =	vmul.u32 $0x65, v17;
	v7 =	vld.idx.msk [tilespmem:v9+s14+$0x0], $0xffff  }
0x164: {  	v12 =	vadd.s32 $0x13EC, v12;
	v13 =	vcvt.f32.s32 v13;
	vm0 =	vgt.s32 v8, $0xFFFFFFCE;
	v15 =	vld.idx.msk [tilespmem:v9+s3+$0x0], $0xffff  }
0x165: {  	v8 =	vnsel vm0, $0xFFFFFFCE, v8;
	v5 =	vadd.s32 v17, v5;
	v9 =	vadd.f32 v11, v6;
	v18 =	vld.idx.msk [tilespmem:v19+s3+$0x0], $0xffff  }
0x166: {  	vm0 =	vgt.s32 v13, $0xFFFFFFCE;
	v11 =	vadd.s32 $0x13EC, v5;
	v6 =	vsub.f32 v16, v2;
	v5 =	vld.idx.msk [tilespmem:v4+s16+$0x0], $0xffff  }
0x167: {  	vm1 =	vlt.s32 v8, $0x32;
	v16 =	vnsel vm0, $0xFFFFFFCE, v13;
	v10 =	vsub.f32 v10, v1  }
0x168: {  	v13 =	vmov s25;
	vm0 =	vlt.s32 v16, $0x32;
	v6 =	vtrunc.f32 v6  }
0x169: {  	v8 =	vnsel vm1, $0x32, v8;
	v13 =	vand.u32 $0xFFFFFFFC, v13;
	v17 =	vcvt.f32.s32 v6  }
0x16a: {  	v8 =	vmul.u32 $0x65, v8;
	v21 =	vbroadcast v13, $0x0;
	v13 =	vsub.f32 v15, v2;
	v6 =	vld.idx.msk [tilespmem:v12+s15+$0x0], $0xffff  }
0x16b: {  	v10 =	vtrunc.f32 v10;
	v15 =	vsub.f32 v7, v1;
	vm1 =	vgt.s32 v17, $0xFFFFFFCE;
	v7 =	vld.idx.msk [tilespmem:v12+s19+$0x0], $0xffff  }
0x16c: {  	v22 =	vsub.f32 v18, v2;
	v17 =	vnsel vm1, $0xFFFFFFCE, v17;
	v13 =	vtrunc.f32 v13;
	v23 =	vld.idx.msk [tilespmem:v11+s19+$0x0], $0xffff  }
0x16d: {  	v24 =	vcvt.f32.s32 v10;
	vm1 =	vlt.s32 v17, $0x32;
	v25 =	vcvt.f32.s32 v13;
	v10 =	vld.idx.msk [tilespmem:v11+s15+$0x0], $0xffff  }
0x16e: {  	v15 =	vtrunc.f32 v15;
	v17 =	vnsel vm1, $0x32, v17;
	v13 =	vld.idx.msk [tilespmem:v11+s16+$0x0], $0xffff;
	v11 =	vnsel vm0, $0x32, v16  }
0x16f: {  	v17 =	vmul.u32 $0x65, v17;
	vm0 =	vgt.s32 v25, $0xFFFFFFCE;
	v18 =	vld.idx.msk [tilespmem:v19+s14+$0x0], $0xffff;
	v8 =	vadd.s32 v8, v11  }
.Ltmp3:
0x170: {  	v20 =	vcvt.f32.s32 v15;
	vm1 =	vgt.s32 v24, $0xFFFFFFCE;
	v15 =	vnsel vm0, $0xFFFFFFCE, v25;
	v19 =	vld.idx.msk [tilespmem:v21+s3+$0x0], $0xffff;
	(pc) =	sbr.rel @p0 .LBB2_8-.Ltmp3, $4  }
0x171: {  	v22 =	vtrunc.f32 v22;
	v16 =	vnsel vm1, $0xFFFFFFCE, v24;
	v11 =	vadd.s32 $0x13EC, v8;
	v21 =	vld.idx.msk [tilespmem:v21+s14+$0x0], $0xffff  }
0x172: {  	vm0 =	vlt.s32 v16, $0x32;
	vm1 =	vlt.s32 v15, $0x32;
	v8 =	vcvt.f32.s32 v22  }
0x173: {  	v22 =	vnsel vm0, $0x32, v16;
	v24 =	vnsel vm1, $0x32, v15;
	v16 =	vadd.f32 v23, v14;
	v15 =	vld.idx.msk [tilespmem:v12+s16+$0x0], $0xffff  }
0x174: {  	vm0 =	vgt.s32 v20, $0xFFFFFFCE;
	v12 =	vadd.s32 v17, v22;
	v17 =	vmul.u32 $0x65, v24;
	v14 =	vld.idx.msk [tilespmem:v4+s19+$0x0], $0xffff  }
0x175: {  	v2 =	vsub.f32 v19, v2;
	_ =	sdelay $0x1  }
0x176: {  	v19 =	vsub.f32 v21, v1;
	v2 =	vtrunc.f32 v2  }
0x177: {  	v20 =	vnsel vm0, $0xFFFFFFCE, v20;
	v12 =	vadd.s32 $0x13EC, v12;
	v2 =	vcvt.f32.s32 v2  }
0x178: {  	v9 =	vadd.f32 v10, v9;
	v3 =	vadd.f32 v13, v3;
	v19 =	vtrunc.f32 v19  }
0x179: {  	v7 =	vadd.f32 v7, v16;
	v19 =	vcvt.f32.s32 v19;
	vm0 =	vgt.s32 v2, $0xFFFFFFCE  }
0x17a: {  	v1 =	vsub.f32 v18, v1;
	vm1 =	vlt.s32 v20, $0x32;
	v2 =	vnsel vm0, $0xFFFFFFCE, v2  }
0x17b: {  	v18 =	vnsel vm1, $0x32, v20;
	vm0 =	vgt.s32 v19, $0xFFFFFFCE;
	vm1 =	vlt.s32 v2, $0x32  }
0x17c: {  	v17 =	vadd.s32 v17, v18;
	v18 =	vnsel vm0, $0xFFFFFFCE, v19;
	v2 =	vnsel vm1, $0x32, v2  }
0x17d: {  	v6 =	vadd.f32 v6, v9;
	vm0 =	vlt.s32 v18, $0x32;
	v2 =	vmul.u32 $0x65, v2  }
0x17e: {  	v4 =	vld.idx.msk [tilespmem:v4+s15+$0x0], $0xffff;
	v1 =	vtrunc.f32 v1;
	v3 =	vadd.f32 v15, v3;
	v18 =	vnsel vm0, $0x32, v18  }
0x17f: {  	v1 =	vcvt.f32.s32 v1;
	v13 =	vld.idx.msk [tilespmem:v12+s15+$0x0], $0xffff;
	vm0 =	vgt.s32 v8, $0xFFFFFFCE;
	v2 =	vadd.s32 v2, v18  }
0x180: {  	v9 =	vld.idx.msk [tilespmem:v12+s19+$0x0], $0xffff;
	v3 =	vadd.f32 v5, v3;
	v8 =	vnsel vm0, $0xFFFFFFCE, v8;
	v2 =	vadd.s32 $0x13EC, v2  }
0x181: {  	v5 =	vadd.f32 v14, v7;
	v7 =	vld.idx.msk [tilespmem:v12+s16+$0x0], $0xffff;
	vm0 =	vgt.s32 v1, $0xFFFFFFCE;
	vm1 =	vlt.s32 v8, $0x32  }
0x182: {  	v19 =	vld.idx.msk [tilespmem:v11+s16+$0x0], $0xffff;
	v1 =	vnsel vm0, $0xFFFFFFCE, v1;
	v8 =	vnsel vm1, $0x32, v8  }
0x183: {  	v17 =	vadd.s32 $0x13EC, v17;
	v18 =	vld.idx.msk [tilespmem:v11+s19+$0x0], $0xffff;
	vm0 =	vlt.s32 v1, $0x32;
	v8 =	vmul.u32 $0x65, v8  }
0x184: {  	v11 =	vld.idx.msk [tilespmem:v11+s15+$0x0], $0xffff;
	v1 =	vnsel vm0, $0x32, v1  }
0x185: {  	v1 =	vadd.s32 v8, v1;
	v15 =	vld.idx.msk [tilespmem:v2+s15+$0x0], $0xffff  }
0x186: {  	v4 =	vadd.f32 v4, v6;
	v1 =	vadd.s32 $0x13EC, v1;
	v6 =	vld.idx.msk [tilespmem:v2+s16+$0x0], $0xffff  }
0x187: {  	v2 =	vld.idx.msk [tilespmem:v2+s19+$0x0], $0xffff  }
0x188: {  	v10 =	vld.idx.msk [tilespmem:v17+s16+$0x0], $0xffff  }
0x189: {  	v3 =	vadd.f32 v19, v3;
	v8 =	vld.idx.msk [tilespmem:v17+s15+$0x0], $0xffff  }
0x18a: {  	v4 =	vadd.f32 v11, v4;
	v5 =	vadd.f32 v18, v5;
	v11 =	vld.idx.msk [tilespmem:v17+s19+$0x0], $0xffff  }
0x18b: {  	v3 =	vadd.f32 v6, v3;
	v6 =	vld.idx.msk [tilespmem:v1+s15+$0x0], $0xffff  }
0x18c: {  	v4 =	vadd.f32 v15, v4;
	v2 =	vadd.f32 v2, v5;
	v5 =	vld.idx.msk [tilespmem:v1+s16+$0x0], $0xffff  }
0x18d: {  	s24 =	simm.s32 $0x1;
	v1 =	vld.idx.msk [tilespmem:v1+s19+$0x0], $0xffff;
	v3 =	vadd.f32 v7, v3  }
0x18e: {  	v4 =	vadd.f32 v13, v4;
	v7 =	vmov s24;
	v2 =	vadd.f32 v9, v2  }
0x18f: {  	v7 =	vand.u32 $0xFFFFFFFD, v7;
	v3 =	vadd.f32 v10, v3  }
0x190: {  	v4 =	vadd.f32 v8, v4;
	v7 =	vbroadcast v7, $0x0;
	v2 =	vadd.f32 v11, v2  }
0x191: {  	s31 =	simm.s32 $0x2;
	v3 =	vadd.f32 v5, v3  }
0x192: {  	s25 =	simm.s32 $0x3;
	v4 =	vadd.f32 v6, v4;
	v1 =	vadd.f32 v1, v2;
	v2 =	vmov s31  }
0x193: {  	v5 =	vmov s25;
	[tilespmem:$0x9880] =	vst v3;
	v3 =	vand.u32 $0xFFFFFFFE, v2  }
0x194: {  	[tilespmem:$0x9840] =	vst v4;
	v2 =	vld [tilespmem:$0x97D0];
	v3 =	vbroadcast v3, $0x0  }
0x195: {  	[tilespmem:$0x98C0] =	vst v1;
	v1 =	vld [tilespmem:$0x9810]  }
0x196: {  	v4 =	vld.idx.msk [tilespmem:v7+s3+$0x0], $0xffff  }
0x197: {  	v6 =	vld.idx.msk [tilespmem:v7+s14+$0x0], $0xffff  }
0x198: {  	v9 =	vld.idx.msk [tilespmem:v5+s3+$0x0], $0xffff  }
0x199: {  	v5 =	vld.idx.msk [tilespmem:v5+s14+$0x0], $0xffff  }
0x19a: {  	s26 =	simm.s32 $0x0;
	v7 =	vld.idx.msk [tilespmem:v3+s3+$0x0], $0xffff  }
0x19b: {  	v8 =	vld.idx.msk [tilespmem:v3+s14+$0x0], $0xffff;
	v3 =	vmov s26  }
0x19c: {  	v4 =	vsub.f32 v4, v2;
	v3 =	vand.u32 $0xFFFFFFFC, v3  }
0x19d: {  	s28 =	simm.s32 $0x5;
	v10 =	vbroadcast v3, $0x0  }
0x19e: {  	s30 =	simm.s32 $0x7;
	v12 =	vmov s28;
	v6 =	vsub.f32 v6, v1;
	v4 =	vtrunc.f32 v4  }
0x19f: {  	v14 =	vmov s30;
	v12 =	vand.u32 $0xFFFFFFFD, v12;
	v4 =	vcvt.f32.s32 v4  }
0x1a0: {  	v9 =	vsub.f32 v9, v2;
	v5 =	vsub.f32 v5, v1;
	v6 =	vtrunc.f32 v6  }
0x1a1: {  	v7 =	vsub.f32 v7, v2;
	vm0 =	vgt.s32 v4, $0xFFFFFFCE;
	v8 =	vsub.f32 v8, v1  }
0x1a2: {  	v3 =	vimm.f32 $0.0e+00;
	v6 =	vcvt.f32.s32 v6;
	v4 =	vnsel vm0, $0xFFFFFFCE, v4  }
0x1a3: {  	v7 =	vtrunc.f32 v7;
	vm0 =	vlt.s32 v4, $0x32;
	v8 =	vtrunc.f32 v8;
	v11 =	vld.idx.msk [tilespmem:v10+s3+$0x0], $0xffff  }
0x1a4: {  	v7 =	vcvt.f32.s32 v7;
	v4 =	vnsel vm0, $0x32, v4;
	vm0 =	vgt.s32 v6, $0xFFFFFFCE;
	v10 =	vld.idx.msk [tilespmem:v10+s14+$0x0], $0xffff  }
0x1a5: {  	v9 =	vtrunc.f32 v9;
	v8 =	vcvt.f32.s32 v8;
	v6 =	vnsel vm0, $0xFFFFFFCE, v6  }
0x1a6: {  	v4 =	vmul.u32 $0x65, v4;
	vm1 =	vgt.s32 v7, $0xFFFFFFCE;
	vm0 =	vlt.s32 v6, $0x32  }
0x1a7: {  	v5 =	vtrunc.f32 v5;
	v7 =	vnsel vm1, $0xFFFFFFCE, v7;
	v6 =	vnsel vm0, $0x32, v6  }
0x1a8: {  	s29 =	simm.s32 $0x6;
	vm0 =	vgt.s32 v8, $0xFFFFFFCE;
	v6 =	vadd.s32 v4, v6;
	v4 =	vsub.f32 v11, v2  }
0x1a9: {  	v11 =	vbroadcast v12, $0x0;
	v10 =	vsub.f32 v10, v1;
	v12 =	vmov s29  }
0x1aa: {  	vm1 =	vlt.s32 v7, $0x32;
	v12 =	vand.u32 $0xFFFFFFFE, v12;
	v4 =	vtrunc.f32 v4  }
0x1ab: {  	v8 =	vnsel vm0, $0xFFFFFFCE, v8;
	v10 =	vtrunc.f32 v10;
	v12 =	vbroadcast v12, $0x0  }
0x1ac: {  	v7 =	vnsel vm1, $0x32, v7;
	v4 =	vcvt.f32.s32 v4;
	v10 =	vcvt.f32.s32 v10  }
0x1ad: {  	v9 =	vcvt.f32.s32 v9;
	vm0 =	vlt.s32 v8, $0x32;
	v7 =	vmul.u32 $0x65, v7  }
0x1ae: {  	v8 =	vnsel vm0, $0x32, v8;
	vm1 =	vgt.s32 v4, $0xFFFFFFCE;
	vm0 =	vgt.s32 v10, $0xFFFFFFCE  }
0x1af: {  	v13 =	vld.idx.msk [tilespmem:v11+s3+$0x0], $0xffff;
	v15 =	vnsel vm1, $0xFFFFFFCE, v4;
	v4 =	vadd.s32 v7, v8;
	v8 =	vnsel vm0, $0xFFFFFFCE, v10  }
0x1b0: {  	v5 =	vcvt.f32.s32 v5;
	v7 =	vld.idx.msk [tilespmem:v11+s14+$0x0], $0xffff;
	vm1 =	vlt.s32 v15, $0x32;
	vm0 =	vlt.s32 v8, $0x32  }
0x1b1: {  	v10 =	vnsel vm1, $0x32, v15;
	v8 =	vnsel vm0, $0x32, v8;
	vm0 =	vgt.s32 v9, $0xFFFFFFCE  }
0x1b2: {  	v15 =	vadd.s32 $0x13EC, v6;
	v6 =	vld.idx.msk [tilespmem:v12+s3+$0x0], $0xffff;
	v10 =	vmul.u32 $0x65, v10;
	v9 =	vnsel vm0, $0xFFFFFFCE, v9  }
0x1b3: {  	v4 =	vadd.s32 $0x13EC, v4;
	v11 =	vld.idx.msk [tilespmem:v12+s14+$0x0], $0xffff;
	vm0 =	vgt.s32 v5, $0xFFFFFFCE;
	vm1 =	vlt.s32 v9, $0x32  }
0x1b4: {  	s31 =	simm.s32 $0x4;
	v12 =	vld.idx.msk [tilespmem:v14+s3+$0x0], $0xffff;
	v16 =	vnsel vm0, $0xFFFFFFCE, v5;
	v8 =	vadd.s32 v10, v8;
	v10 =	vsub.f32 v13, v2  }
0x1b5: {  	v7 =	vsub.f32 v7, v1;
	v13 =	vmov s31;
	vm0 =	vlt.s32 v16, $0x32  }
0x1b6: {  	v9 =	vnsel vm1, $0x32, v9;
	v8 =	vadd.s32 $0x13EC, v8;
	v5 =	vand.u32 $0xFFFFFFFC, v13  }
0x1b7: {  	v9 =	vmul.u32 $0x65, v9;
	v16 =	vnsel vm0, $0x32, v16;
	v10 =	vtrunc.f32 v10  }
0x1b8: {  	v17 =	vbroadcast v5, $0x0;
	v5 =	vld.idx.msk [tilespmem:v4+s16+$0x0], $0xffff;
	v13 =	vsub.f32 v6, v2;
	v10 =	vcvt.f32.s32 v10  }
0x1b9: {  	v6 =	vld.idx.msk [tilespmem:v15+s15+$0x0], $0xffff;
	v18 =	vtrunc.f32 v7;
	v11 =	vsub.f32 v11, v1;
	v12 =	vsub.f32 v12, v2  }
0x1ba: {  	v7 =	vld.idx.msk [tilespmem:v15+s19+$0x0], $0xffff;
	v19 =	vcvt.f32.s32 v18;
	v13 =	vtrunc.f32 v13;
	vm1 =	vgt.s32 v10, $0xFFFFFFCE  }
0x1bb: {  	v18 =	vld.idx.msk [tilespmem:v14+s14+$0x0], $0xffff;
	v11 =	vtrunc.f32 v11;
	v21 =	vcvt.f32.s32 v13;
	v10 =	vnsel vm1, $0xFFFFFFCE, v10  }
0x1bc: {  	v12 =	vtrunc.f32 v12;
	v20 =	vcvt.f32.s32 v11;
	v22 =	vld.idx.msk [tilespmem:v8+s19+$0x0], $0xffff;
	vm1 =	vlt.s32 v10, $0x32  }
0x1bd: {  	vm0 =	vgt.s32 v21, $0xFFFFFFCE;
	v13 =	vnsel vm1, $0x32, v10;
	v10 =	vld.idx.msk [tilespmem:v8+s15+$0x0], $0xffff;
	vm1 =	vgt.s32 v19, $0xFFFFFFCE  }
0x1be: {  	v23 =	vmul.u32 $0x65, v13;
	v13 =	vld.idx.msk [tilespmem:v8+s16+$0x0], $0xffff;
	v8 =	vadd.s32 v9, v16;
	v14 =	vnsel vm1, $0xFFFFFFCE, v19  }
0x1bf: {  	v15 =	vld.idx.msk [tilespmem:v15+s16+$0x0], $0xffff;
	v9 =	vnsel vm0, $0xFFFFFFCE, v21;
	v11 =	vadd.s32 $0x13EC, v8;
	vm0 =	vlt.s32 v14, $0x32  }
0x1c0: {  	v19 =	vld.idx.msk [tilespmem:v17+s3+$0x0], $0xffff;
	vm1 =	vlt.s32 v9, $0x32;
	v8 =	vcvt.f32.s32 v12;
	v12 =	vnsel vm0, $0x32, v14  }
0x1c1: {  	v21 =	vld.idx.msk [tilespmem:v17+s14+$0x0], $0xffff;
	v9 =	vnsel vm1, $0x32, v9;
	v16 =	vadd.f32 v22, v3;
	vm0 =	vgt.s32 v20, $0xFFFFFFCE  }
0x1c2: {  	s24 =	simm.s32 $0x8;
	v14 =	vld.idx.msk [tilespmem:v4+s19+$0x0], $0xffff;
	v12 =	vadd.s32 v23, v12;
	v17 =	vmul.u32 $0x65, v9;
	v9 =	vimm.f32 $0.0e+00  }
.LBB2_10:
0x1c3: {  	s26 =	sadd.s32 $0x1, s24  }
0x1c4: {  	p0 =	slt.u32 s24, $0xFFC;
	v20 =	vnsel vm0, $0xFFFFFFCE, v20;
	v18 =	vsub.f32 v18, v1;
	v3 =	vadd.f32 v13, v3;
	s25 =	smov.u32 s24;
	s24 =	sadd.s32 $0x4, s24  }
0x1c5: {  	v19 =	vsub.f32 v19, v2;
	v9 =	vadd.f32 v10, v9;
	v13 =	vmov s26  }
0x1c6: {  	v7 =	vadd.f32 v7, v16;
	s26 =	sadd.s32 $0x2, s25;
	v10 =	vand.u32 $0xFFFFFFFD, v13;
	v13 =	vsub.f32 v21, v1;
	v16 =	vld.idx.msk [tilespmem:v11+s16+$0x0], $0xffff  }
0x1c7: {  	v21 =	vmov s26;
	v6 =	vadd.f32 v6, v9;
	v10 =	vbroadcast v10, $0x0  }
0x1c8: {  	v19 =	vtrunc.f32 v19;
	v9 =	vand.u32 $0xFFFFFFFE, v21;
	v3 =	vadd.f32 v15, v3;
	v15 =	vld.idx.msk [tilespmem:v4+s15+$0x0], $0xffff  }
0x1c9: {  	vm0 =	vlt.s32 v20, $0x32;
	v9 =	vbroadcast v9, $0x0;
	v7 =	vadd.f32 v14, v7;
	v14 =	vld.idx.msk [tilespmem:v11+s19+$0x0], $0xffff  }
0x1ca: {  	s26 =	sadd.s32 $0x3, s25;
	v4 =	vcvt.f32.s32 v19;
	v13 =	vtrunc.f32 v13;
	v3 =	vadd.f32 v5, v3  }
0x1cb: {  	v19 =	vmov s26;
	v5 =	vcvt.f32.s32 v13;
	v13 =	vnsel vm0, $0x32, v20  }
0x1cc: {  	vm0 =	vgt.s32 v4, $0xFFFFFFCE;
	v13 =	vadd.s32 v17, v13;
	v3 =	vadd.f32 v16, v3;
	v11 =	vld.idx.msk [tilespmem:v11+s15+$0x0], $0xffff  }
0x1cd: {  	v17 =	vnsel vm0, $0xFFFFFFCE, v4;
	vm0 =	vgt.s32 v5, $0xFFFFFFCE;
	v4 =	vadd.s32 $0x13EC, v13;
	v16 =	vld.idx.msk [tilespmem:v10+s3+$0x0], $0xffff  }
0x1ce: {  	v13 =	vtrunc.f32 v18;
	vm1 =	vlt.s32 v17, $0x32;
	v5 =	vnsel vm0, $0xFFFFFFCE, v5;
	v10 =	vld.idx.msk [tilespmem:v10+s14+$0x0], $0xffff  }
0x1cf: {  	v17 =	vnsel vm1, $0x32, v17;
	vm0 =	vlt.s32 v5, $0x32;
	v14 =	vadd.f32 v14, v7  }
0x1d0: {  	v6 =	vadd.f32 v15, v6;
	v5 =	vnsel vm0, $0x32, v5;
	v17 =	vmul.u32 $0x65, v17;
	v7 =	vld.idx.msk [tilespmem:v9+s14+$0x0], $0xffff  }
0x1d1: {  	v12 =	vadd.s32 $0x13EC, v12;
	v13 =	vcvt.f32.s32 v13;
	vm0 =	vgt.s32 v8, $0xFFFFFFCE;
	v15 =	vld.idx.msk [tilespmem:v9+s3+$0x0], $0xffff  }
0x1d2: {  	v8 =	vnsel vm0, $0xFFFFFFCE, v8;
	v5 =	vadd.s32 v17, v5;
	v9 =	vadd.f32 v11, v6;
	v18 =	vld.idx.msk [tilespmem:v19+s3+$0x0], $0xffff  }
0x1d3: {  	vm0 =	vgt.s32 v13, $0xFFFFFFCE;
	v11 =	vadd.s32 $0x13EC, v5;
	v6 =	vsub.f32 v16, v2;
	v5 =	vld.idx.msk [tilespmem:v4+s16+$0x0], $0xffff  }
0x1d4: {  	vm1 =	vlt.s32 v8, $0x32;
	v16 =	vnsel vm0, $0xFFFFFFCE, v13;
	v10 =	vsub.f32 v10, v1  }
0x1d5: {  	v13 =	vmov s25;
	vm0 =	vlt.s32 v16, $0x32;
	v6 =	vtrunc.f32 v6  }
0x1d6: {  	v8 =	vnsel vm1, $0x32, v8;
	v13 =	vand.u32 $0xFFFFFFFC, v13;
	v17 =	vcvt.f32.s32 v6  }
0x1d7: {  	v8 =	vmul.u32 $0x65, v8;
	v21 =	vbroadcast v13, $0x0;
	v13 =	vsub.f32 v15, v2;
	v6 =	vld.idx.msk [tilespmem:v12+s15+$0x0], $0xffff  }
0x1d8: {  	v10 =	vtrunc.f32 v10;
	v15 =	vsub.f32 v7, v1;
	vm1 =	vgt.s32 v17, $0xFFFFFFCE;
	v7 =	vld.idx.msk [tilespmem:v12+s19+$0x0], $0xffff  }
0x1d9: {  	v22 =	vsub.f32 v18, v2;
	v17 =	vnsel vm1, $0xFFFFFFCE, v17;
	v13 =	vtrunc.f32 v13;
	v23 =	vld.idx.msk [tilespmem:v11+s19+$0x0], $0xffff  }
0x1da: {  	v24 =	vcvt.f32.s32 v10;
	vm1 =	vlt.s32 v17, $0x32;
	v25 =	vcvt.f32.s32 v13;
	v10 =	vld.idx.msk [tilespmem:v11+s15+$0x0], $0xffff  }
0x1db: {  	v15 =	vtrunc.f32 v15;
	v17 =	vnsel vm1, $0x32, v17;
	v13 =	vld.idx.msk [tilespmem:v11+s16+$0x0], $0xffff;
	v11 =	vnsel vm0, $0x32, v16  }
0x1dc: {  	v17 =	vmul.u32 $0x65, v17;
	vm0 =	vgt.s32 v25, $0xFFFFFFCE;
	v18 =	vld.idx.msk [tilespmem:v19+s14+$0x0], $0xffff;
	v8 =	vadd.s32 v8, v11  }
.Ltmp4:
0x1dd: {  	v20 =	vcvt.f32.s32 v15;
	vm1 =	vgt.s32 v24, $0xFFFFFFCE;
	v15 =	vnsel vm0, $0xFFFFFFCE, v25;
	v19 =	vld.idx.msk [tilespmem:v21+s3+$0x0], $0xffff;
	(pc) =	sbr.rel @p0 .LBB2_10-.Ltmp4, $4  }
0x1de: {  	v22 =	vtrunc.f32 v22;
	v16 =	vnsel vm1, $0xFFFFFFCE, v24;
	v11 =	vadd.s32 $0x13EC, v8;
	v21 =	vld.idx.msk [tilespmem:v21+s14+$0x0], $0xffff  }
0x1df: {  	vm0 =	vlt.s32 v16, $0x32;
	vm1 =	vlt.s32 v15, $0x32;
	v8 =	vcvt.f32.s32 v22  }
0x1e0: {  	v22 =	vnsel vm0, $0x32, v16;
	v24 =	vnsel vm1, $0x32, v15;
	v16 =	vadd.f32 v23, v14;
	v15 =	vld.idx.msk [tilespmem:v12+s16+$0x0], $0xffff  }
0x1e1: {  	vm0 =	vgt.s32 v20, $0xFFFFFFCE;
	v12 =	vadd.s32 v17, v22;
	v17 =	vmul.u32 $0x65, v24;
	v14 =	vld.idx.msk [tilespmem:v4+s19+$0x0], $0xffff  }
0x1e2: {  	v2 =	vsub.f32 v19, v2;
	_ =	sdelay $0x1  }
0x1e3: {  	v47 =	vsub.f32 v21, v1;
	v2 =	vtrunc.f32 v2  }
0x1e4: {  	v2 =	vcvt.f32.s32 v2  }
0x1e5: {  	v19 =	vtrunc.f32 v47  }
0x1e6: {  	v19 =	vcvt.f32.s32 v19;
	vm10 =	vgt.s32 v2, $0xFFFFFFCE  }
0x1e7: {  	v20 =	vnsel vm0, $0xFFFFFFCE, v20;
	v2 =	vnsel vm10, $0xFFFFFFCE, v2  }
0x1e8: {  	v12 =	vadd.s32 $0x13EC, v12;
	vm11 =	vgt.s32 v19, $0xFFFFFFCE;
	vm12 =	vlt.s32 v2, $0x32  }
0x1e9: {  	v1 =	vsub.f32 v18, v1;
	v49 =	vnsel vm11, $0xFFFFFFCE, v19;
	v2 =	vnsel vm12, $0x32, v2  }
0x1ea: {  	vm13 =	vgt.s32 v8, $0xFFFFFFCE;
	vm0 =	vlt.s32 v49, $0x32;
	v2 =	vmul.u32 $0x65, v2  }
0x1eb: {  	v50 =	vld.idx.msk [tilespmem:v11+s16+$0x0], $0xffff;
	v9 =	vadd.f32 v10, v9;
	v1 =	vtrunc.f32 v1;
	v18 =	vnsel vm0, $0x32, v49  }
0x1ec: {  	v4 =	vld.idx.msk [tilespmem:v4+s15+$0x0], $0xffff;
	v3 =	vadd.f32 v13, v3;
	v1 =	vcvt.f32.s32 v1;
	v2 =	vadd.s32 v2, v18  }
0x1ed: {  	v51 =	vld.idx.msk [tilespmem:v11+s19+$0x0], $0xffff;
	vm1 =	vlt.s32 v20, $0x32;
	v8 =	vnsel vm13, $0xFFFFFFCE, v8;
	v2 =	vadd.s32 $0x13EC, v2  }
0x1ee: {  	v52 =	vld.idx.msk [tilespmem:v11+s15+$0x0], $0xffff;
	v48 =	vnsel vm1, $0x32, v20;
	vm15 =	vlt.s32 v8, $0x32;
	vm14 =	vgt.s32 v1, $0xFFFFFFCE  }
0x1ef: {  	v17 =	vadd.s32 v17, v48;
	v8 =	vnsel vm15, $0x32, v8;
	v54 =	vld.idx.msk [tilespmem:v12+s15+$0x0], $0xffff;
	v1 =	vnsel vm14, $0xFFFFFFCE, v1  }
0x1f0: {  	v17 =	vadd.s32 $0x13EC, v17;
	v8 =	vmul.u32 $0x65, v8;
	v55 =	vld.idx.msk [tilespmem:v12+s19+$0x0], $0xffff;
	vm0 =	vlt.s32 v1, $0x32  }
0x1f1: {  	v6 =	vadd.f32 v6, v9;
	v59 =	vld.idx.msk [tilespmem:v12+s16+$0x0], $0xffff;
	v1 =	vnsel vm0, $0x32, v1  }
0x1f2: {  	v3 =	vadd.f32 v15, v3;
	v1 =	vadd.s32 v8, v1;
	v56 =	vld.idx.msk [tilespmem:v2+s15+$0x0], $0xffff  }
0x1f3: {  	v7 =	vadd.f32 v7, v16;
	v4 =	vadd.f32 v4, v6;
	v1 =	vadd.s32 $0x13EC, v1;
	v57 =	vld.idx.msk [tilespmem:v2+s16+$0x0], $0xffff  }
0x1f4: {  	v3 =	vadd.f32 v5, v3;
	v2 =	vld.idx.msk [tilespmem:v2+s19+$0x0], $0xffff  }
0x1f5: {  	v58 =	vadd.f32 v14, v7;
	v4 =	vadd.f32 v52, v4;
	v53 =	vld.idx.msk [tilespmem:v17+s16+$0x0], $0xffff  }
0x1f6: {  	v3 =	vadd.f32 v50, v3;
	v60 =	vld.idx.msk [tilespmem:v17+s15+$0x0], $0xffff  }
0x1f7: {  	v5 =	vadd.f32 v51, v58;
	v61 =	vld.idx.msk [tilespmem:v17+s19+$0x0], $0xffff;
	v4 =	vadd.f32 v56, v4  }
0x1f8: {  	v62 =	vld.idx.msk [tilespmem:v1+s15+$0x0], $0xffff;
	v3 =	vadd.f32 v57, v3  }
0x1f9: {  	v63 =	vld.idx.msk [tilespmem:v1+s16+$0x0], $0xffff;
	v2 =	vadd.f32 v2, v5;
	v4 =	vadd.f32 v54, v4  }
0x1fa: {  	v1 =	vld.idx.msk [tilespmem:v1+s19+$0x0], $0xffff;
	v3 =	vadd.f32 v59, v3  }
0x1fb: {  	v2 =	vadd.f32 v55, v2;
	v4 =	vadd.f32 v60, v4  }
0x1fc: {  	v3 =	vadd.f32 v53, v3  }
0x1fd: {  	v2 =	vadd.f32 v61, v2;
	v4 =	vadd.f32 v62, v4  }
0x1fe: {  	v3 =	vadd.f32 v63, v3  }
0x1ff: {  	v1 =	vadd.f32 v1, v2;
	[tilespmem:$0x9850] =	vst v4  }
0x200: {  	[tilespmem:$0x9890] =	vst v3  }
0x201: {  	[tilespmem:$0x98D0] =	vst v1  }
0x202: {  	[hbm4b:s9+s3] =	stream.linear.scatter [tilespmem:s20], [sflag:$0x1], $0x40, $0x38;
	[tilespmem:$0x98E0] =	vst v63  }
0x203: {  	_ =	swait.ge [sflag:s13], $0x40  }
0x204: {  	[sflag:s13] =	ssyncset.done $0x0  }
0x205: {  	[sflag:s13] =	ssyncadd.s32 $0xFFFFFFC0  }
0x206: {  	[hbm4b:s10+s3] =	stream.linear.scatter [tilespmem:s21], [sflag:$0x1], $0x40, $0x38;
	[tilespmem:$0x98E0] =	vst v63  }
0x207: {  	s23 =	sadd.s32 $0x1, s23;
	_ =	swait.ge [sflag:s13], $0x40  }
0x208: {  	p0 =	sne.s32 s23, s12;
	[sflag:s13] =	ssyncset.done $0x0  }
.Ltmp5:
0x209: {  	[sflag:s13] =	ssyncadd.s32 $0xFFFFFFC0;
	(pc) =	sbr.rel @p0 .LBB2_1-.Ltmp5, $4  }
0x20a: {  	[hbm4b:s11+s3] =	stream.linear.scatter [tilespmem:s22], [sflag:$0x1], $0x40, $0x38;
	[tilespmem:$0x98E0] =	vst v63  }
0x20b: {  	_ =	swait.ge [sflag:s13], $0x40  }
0x20c: {  	[sflag:s13] =	ssyncset.done $0x0  }
0x20d: {  	[sflag:s13] =	ssyncadd.s32 $0xFFFFFFC0  }
0x20e: {  	_ =	sfence.sel $0x180000  }
0x20f: {  	[bflag:$0x0] =	sbarrier.arrive $0xFFFF  }
0x210: {  	p0 =	sne.s32 s2, $0x0;
	_ =	strace $0x90000047  }
0x211: {  	s0 =	sadd.s32 @!p0 $0x100000, s0;
	[bflag:$0x2] =	sbarrier.arrive $0xFFFF  }
0x212: {  	[sflag:s0] =	ssyncadd.tile.s32 @!p0 $0x1;
	_ =	shalt  }
.Lfunc_end2:
_tile_overlayer_lowered:
.L_overlay_start_2:
0x213: {  	(tag) =	ssettag $0x2  }
0x214: {  	s0 =	rddreg [dreg:$0x0];
	s2 =	stileid.u32  }
0x215: {  	s1 =	rddreg [dreg:$0x1];
	p0 =	sne.s32 s2, $0x0  }
0x216: {  	s3 =	rddreg [dreg:$0x2];
	[bflag:$0x3] =	sbarrier.arrive $0xFFFF;
	s2 =	simm.s32 @!p0 $0x1C01  }
0x217: {  	[timem:s3], [sflag:s2] =	dma.local @!p0 [hbm:s0], s1  }
0x218: {  	s0 =	simm.s32 @!p0 $0x1  }
0x219: {  	_ =	swait.ge @!p0 [sflag:s0], s1  }
0x21a: {  	s1 =	ssub.s32 @!p0 $0x0, s1;
	[sflag:s0] =	ssyncset.done @!p0 $0x0  }
0x21b: {  	[sflag:s0] =	ssyncadd.s32 @!p0 s1  }
0x21c: {  	[bflag:$0x3] =	sbarrier.arrive $0xFFFF  }
0x21d: {  	_ =	shalt  }

</sc_bundles>
